<compile_context>
chip_gen: v7x
topology: tpu7x:2x2x1
jax: 0.10.2.dev20260603
libtpu: 0.0.44.dev20260713+nightly
codegen_flags: <defaults>
</compile_context>

<pallas_src>
import functools

import jax
import jax.numpy as jnp
from jax import lax
from jax.experimental import pallas as pl
from jax.experimental.pallas import tpu as pltpu
from jax.experimental.pallas import tpu_sc as plsc

_NPOINT = 2048
_L = 16
_NC = 2
_NS = 16
_SHARD = 4


def _fps_sc(x, y, z, npoint):
    B, N = x.shape
    assert B * _SHARD == _NC * _NS
    Nl = N // _SHARD
    nchunks = Nl // _L
    mesh = plsc.VectorSubcoreMesh(
        core_axis_name="c", subcore_axis_name="s", num_cores=_NC, num_subcores=_NS
    )

    @functools.partial(
        pl.kernel,
        out_type=[jax.ShapeDtypeStruct((B, npoint), jnp.float32)] * 3,
        mesh=mesh,
        compiler_params=pltpu.CompilerParams(needs_layout_passes=False, use_tc_tiling_on_sc=False),
        scratch_types=[
            pltpu.VMEM((Nl,), jnp.float32),
            pltpu.VMEM((Nl,), jnp.float32),
            pltpu.VMEM((Nl,), jnp.float32),
            pltpu.VMEM((Nl,), jnp.float32),
            pltpu.VMEM((npoint,), jnp.float32),
            pltpu.VMEM((npoint,), jnp.float32),
            pltpu.VMEM((npoint,), jnp.float32),
            pltpu.VMEM((_L,), jnp.float32),
            pltpu.VMEM((_SHARD, _L), jnp.float32),
            pltpu.VMEM_SHARED((2, _NS, _L), jnp.float32),
        ],
    )
    def k(xh, yh, zh, oxh, oyh, ozh, xv, yv, zv, dv, oxv, oyv, ozv, rowv, candv, spm):
        cid = lax.axis_index("c")
        sid = lax.axis_index("s")
        b = cid * (_NS // _SHARD) + sid // _SHARD
        mem = sid % _SHARD
        base = mem * Nl
        g0 = (sid // _SHARD) * _SHARD

        pltpu.sync_copy(xh.at[b, pl.ds(base, Nl)], xv)
        pltpu.sync_copy(yh.at[b, pl.ds(base, Nl)], yv)
        pltpu.sync_copy(zh.at[b, pl.ds(base, Nl)], zv)

        big = jnp.full((_L,), 1e10, jnp.float32)

        def initc(kk, carry):
            dv[pl.ds(kk * _L, _L)] = big
            return carry

        lax.fori_loop(0, nchunks, initc, 0, unroll=8)

        lanes = lax.iota(jnp.int32, _L)
        lane0 = lanes == 0

        pltpu.sync_copy(xh.at[b, pl.ds(0, _L)], rowv)
        cx0 = rowv[...][0]
        pltpu.sync_copy(yh.at[b, pl.ds(0, _L)], rowv)
        cy0 = rowv[...][0]
        pltpu.sync_copy(zh.at[b, pl.ds(0, _L)], rowv)
        cz0 = rowv[...][0]

        def step(i, carry):
            cx, cy, cz = carry

            def chunk(kk, c2):
                bval, bidx = c2
                off = pl.multiple_of(kk * _L, _L)
                dx = xv[pl.ds(off, _L)] - cx
                dy = yv[pl.ds(off, _L)] - cy
                dz = zv[pl.ds(off, _L)] - cz
                sxy = dx * dx + dy * dy
                d = sxy + dz * dz
                nd = jnp.minimum(dv[pl.ds(off, _L)], d)
                dv[pl.ds(off, _L)] = nd
                m = nd > bval
                bval = jnp.where(m, nd, bval)
                bidx = jnp.where(m, lanes + off, bidx)
                return bval, bidx

            bval0 = jnp.full((_L,), -1.0, jnp.float32)
            bidx0 = jnp.zeros((_L,), jnp.int32)
            bval, bidx = plsc.parallel_loop(
                0, nchunks, carry=(bval0, bidx0), unroll=8
            )(chunk)
            mval = jnp.max(bval)
            cand = jnp.where(bval == mval, bidx, jnp.int32(Nl))
            lidx = jnp.min(cand)
            lv = jnp.broadcast_to(lidx, (_L,))
            cxl = plsc.load_gather(xv, [lv])[0]
            cyl = plsc.load_gather(yv, [lv])[0]
            czl = plsc.load_gather(zv, [lv])[0]

            row = jnp.broadcast_to(czl, (_L,))
            row = jnp.where(lanes == 0, jnp.broadcast_to(mval, (_L,)), row)
            row = jnp.where(lanes == 1, jnp.broadcast_to(cxl, (_L,)), row)
            row = jnp.where(lanes == 2, jnp.broadcast_to(cyl, (_L,)), row)
            rowv[...] = row
            p = lax.rem(i, 2)
            pltpu.sync_copy(rowv, spm.at[p, sid])
            iv = jnp.broadcast_to(i, (_L,))
            plsc.store_scatter(oxv, [iv], jnp.broadcast_to(cx, (_L,)), mask=lane0)
            plsc.store_scatter(oyv, [iv], jnp.broadcast_to(cy, (_L,)), mask=lane0)
            plsc.store_scatter(ozv, [iv], jnp.broadcast_to(cz, (_L,)), mask=lane0)
            plsc.subcore_barrier()
            pltpu.sync_copy(spm.at[p, pl.ds(g0, _SHARD), :], candv)

            r0 = candv[0, :]
            bv, bx, by, bz = r0[0], r0[1], r0[2], r0[3]
            for r in range(1, _SHARD):
                rr = candv[r, :]
                take = rr[0] > bv
                bv = jnp.where(take, rr[0], bv)
                bx = jnp.where(take, rr[1], bx)
                by = jnp.where(take, rr[2], by)
                bz = jnp.where(take, rr[3], bz)
            return bx, by, bz

        lax.fori_loop(0, npoint, step, (cx0, cy0, cz0))

        @pl.when(mem == 0)
        def _():
            pltpu.sync_copy(oxv, oxh.at[b])
            pltpu.sync_copy(oyv, oyh.at[b])
            pltpu.sync_copy(ozv, ozh.at[b])

    return k(x, y, z)


def kernel(points_xyz, points_xyz_t, features_with_xyz):
    x = points_xyz_t[:, 0, :]
    y = points_xyz_t[:, 1, :]
    z = points_xyz_t[:, 2, :]
    ox, oy, oz = _fps_sc(x, y, z, _NPOINT)
    return jnp.stack([ox, oy, oz], axis=1)

# --- scband reference (transcript-rebuilt; emitter-appended) ---
"""Pipeline reference for scband-points-sampler-70961449664641 (READ-ONLY COPY).

The authoritative reference and input builder live on the scoring server;
editing this copy changes nothing except your own understanding.
"""

import jax, jax.numpy as jnp
import numpy as np

NPOINT = 2048

@jax.jit
def _fps(feat):
    # feat: (B, N, C) -- iterative furthest point sampling on squared euclidean
    # distance in feature space (here C=3 xyz coords => D-FPS).
    B, N, C = feat.shape

    def body(i, state):
        idx, dists, farthest = state
        idx = idx.at[:, i].set(farthest)
        centroid = feat[jnp.arange(B), farthest]  # (B, C)
        d = jnp.sum((feat - centroid[:, None, :]) ** 2, axis=-1)  # (B, N)
        dists = jnp.minimum(dists, d)
        farthest = jnp.argmax(dists, axis=-1).astype(jnp.int32)
        return (idx, dists, farthest)

    idx0 = jnp.zeros((B, NPOINT), jnp.int32)
    dists0 = jnp.full((B, N), 1e10, dtype=jnp.float32)
    far0 = jnp.zeros((B,), jnp.int32)
    idx, _, _ = jax.lax.fori_loop(0, NPOINT, body, (idx0, dists0, far0))
    return idx


def setup_inputs(seed: int = 0) -> dict:
    key = jax.random.key(seed)
    k1, k2 = jax.random.split(key)
    B, N, C_extra = 8, 16384, 64
    points_xyz = jax.random.normal(k1, (B, N, 3), dtype=jnp.float32)
    points_xyz_t = jnp.transpose(points_xyz, (0, 2, 1))  # (B, 3, N)
    extra = jax.random.normal(k2, (B, C_extra, N), dtype=jnp.float32)
    features_with_xyz = jnp.concatenate([points_xyz_t, extra], axis=1)  # (B, 3+C, N)
    return {
        "points_xyz": points_xyz,
        "points_xyz_t": points_xyz_t,
        "features_with_xyz": features_with_xyz,
    }


def reference(points_xyz, points_xyz_t, features_with_xyz):
    # Single D-FPS branch, fps_sample_range=-1: sample NPOINT indices from
    # euclidean FPS over points_xyz, then gather from points_xyz_t.
    idx = _fps(points_xyz)  # (B, NPOINT) int32, non-differentiable
    B, C, N = points_xyz_t.shape
    idx3 = jnp.broadcast_to(idx[:, None, :], (B, C, NPOINT))
    output = jnp.take_along_axis(points_xyz_t, idx3, axis=2)  # (B, 3, NPOINT)
    return output

if __name__ == "__main__":
    import jax
    _d = setup_inputs()
    print(jax.jit(kernel)(*tuple(_d.values())))

</pallas_src>

<mosaic_0001>
#map = affine_map<(d0, d1) -> (0, 0)>
module attributes {stable_mosaic.version = 14 : i64} {
  func.func @k(%arg0: i32, %arg1: i32, %arg2: memref<8x16384xf32, #tpu.memory_space<hbm>>, %arg3: memref<8x16384xf32, #tpu.memory_space<hbm>>, %arg4: memref<8x16384xf32, #tpu.memory_space<hbm>>, %arg5: memref<8x2048xf32, #tpu.memory_space<hbm>>, %arg6: memref<8x2048xf32, #tpu.memory_space<hbm>>, %arg7: memref<8x2048xf32, #tpu.memory_space<hbm>>, %arg8: memref<4096xf32, #tpu.memory_space<vmem>>, %arg9: memref<4096xf32, #tpu.memory_space<vmem>>, %arg10: memref<4096xf32, #tpu.memory_space<vmem>>, %arg11: memref<4096xf32, #tpu.memory_space<vmem>>, %arg12: memref<2048xf32, #tpu.memory_space<vmem>>, %arg13: memref<2048xf32, #tpu.memory_space<vmem>>, %arg14: memref<2048xf32, #tpu.memory_space<vmem>>, %arg15: memref<16xf32, #tpu.memory_space<vmem>>, %arg16: memref<4x16xf32, #tpu.memory_space<vmem>>, %arg17: memref<2x16x16xf32, #tpu.memory_space<vmem_shared>>) attributes {dimension_semantics = [#tpu.dimension_semantics<core_parallel>, #tpu.dimension_semantics<subcore_parallel>], iteration_bounds = array<i64: 2, 16>, scalar_prefetch = 0 : i64, scratch_operands = 10 : i64, tpu.core_type = #tpu.core_type<sc_vector_subcore>, window_params = [{transform_indices = #map}, {transform_indices = #map}, {transform_indices = #map}, {transform_indices = #map}, {transform_indices = #map}, {transform_indices = #map}]} {
    %mul3A = arith.constant 4 : i32
    %mul3A_0 = arith.muli %arg0, %mul3A : i32
    %jit3A = arith.constant 4 : i32
    %div3A = arith.divsi %arg1, %jit3A : i32
    %sign3A = arith.constant 0 : i32
    %sign3A_1 = arith.cmpi sgt, %arg1, %sign3A : i32
    %sign3A_2 = arith.extui %sign3A_1 : i1 to i32
    %sign3A_3 = arith.constant 0 : i32
    %sign3A_4 = arith.cmpi slt, %arg1, %sign3A_3 : i32
    %sign3A_5 = arith.extui %sign3A_4 : i1 to i32
    %sign3A_6 = arith.subi %sign3A_2, %sign3A_5 : i32
    %sign3A_7 = arith.constant 0 : i32
    %sign3A_8 = arith.cmpi sgt, %jit3A, %sign3A_7 : i32
    %sign3A_9 = arith.extui %sign3A_8 : i1 to i32
    %sign3A_10 = arith.constant 0 : i32
    %sign3A_11 = arith.cmpi slt, %jit3A, %sign3A_10 : i32
    %sign3A_12 = arith.extui %sign3A_11 : i1 to i32
    %sign3A_13 = arith.subi %sign3A_9, %sign3A_12 : i32
    %ne3A = arith.cmpi ne, %sign3A_6, %sign3A_13 : i32
    %rem3A = arith.remsi %arg1, %jit3A : i32
    %ne3A_14 = arith.constant 0 : i32
    %ne3A_15 = arith.cmpi ne, %rem3A, %ne3A_14 : i32
    %and3A = arith.andi %ne3A, %ne3A_15 : i1
    %sub3A = arith.constant 1 : i32
    %sub3A_16 = arith.subi %div3A, %sub3A : i32
    %select_n3A = arith.select %and3A, %sub3A_16, %div3A : i32
    %add3A = arith.addi %mul3A_0, %select_n3A : i32
    %jit3A_17 = arith.constant 4 : i32
    %eq3A = arith.constant 0 : i32
    %eq3A_18 = arith.cmpi eq, %jit3A_17, %eq3A : i32
    %jit3A_19 = arith.constant 1 : i32
    %select_n3A_20 = arith.select %eq3A_18, %jit3A_19, %jit3A_17 : i32
    %rem3A_21 = arith.remsi %arg1, %select_n3A_20 : i32
    %ne3A_22 = arith.constant 0 : i32
    %ne3A_23 = arith.cmpi ne, %rem3A_21, %ne3A_22 : i32
    %lt3A = arith.constant 0 : i32
    %lt3A_24 = arith.cmpi slt, %rem3A_21, %lt3A : i32
    %lt3A_25 = arith.constant 0 : i32
    %lt3A_26 = arith.cmpi slt, %select_n3A_20, %lt3A_25 : i32
    %ne3A_27 = arith.xori %lt3A_24, %lt3A_26 : i1
    %and3A_28 = arith.andi %ne3A_27, %ne3A_23 : i1
    %add3A_29 = arith.addi %rem3A_21, %select_n3A_20 : i32
    %select_n3A_30 = arith.select %and3A_28, %add3A_29, %rem3A_21 : i32
    %mul3A_31 = arith.constant 4096 : i32
    %mul3A_32 = arith.muli %select_n3A_30, %mul3A_31 : i32
    %jit3A_33 = arith.constant 4 : i32
    %div3A_34 = arith.divsi %arg1, %jit3A_33 : i32
    %sign3A_35 = arith.constant 0 : i32
    %sign3A_36 = arith.cmpi sgt, %arg1, %sign3A_35 : i32
    %sign3A_37 = arith.extui %sign3A_36 : i1 to i32
    %sign3A_38 = arith.constant 0 : i32
    %sign3A_39 = arith.cmpi slt, %arg1, %sign3A_38 : i32
    %sign3A_40 = arith.extui %sign3A_39 : i1 to i32
    %sign3A_41 = arith.subi %sign3A_37, %sign3A_40 : i32
    %sign3A_42 = arith.constant 0 : i32
    %sign3A_43 = arith.cmpi sgt, %jit3A_33, %sign3A_42 : i32
    %sign3A_44 = arith.extui %sign3A_43 : i1 to i32
    %sign3A_45 = arith.constant 0 : i32
    %sign3A_46 = arith.cmpi slt, %jit3A_33, %sign3A_45 : i32
    %sign3A_47 = arith.extui %sign3A_46 : i1 to i32
    %sign3A_48 = arith.subi %sign3A_44, %sign3A_47 : i32
    %ne3A_49 = arith.cmpi ne, %sign3A_41, %sign3A_48 : i32
    %rem3A_50 = arith.remsi %arg1, %jit3A_33 : i32
    %ne3A_51 = arith.constant 0 : i32
    %ne3A_52 = arith.cmpi ne, %rem3A_50, %ne3A_51 : i32
    %and3A_53 = arith.andi %ne3A_49, %ne3A_52 : i1
    %sub3A_54 = arith.constant 1 : i32
    %sub3A_55 = arith.subi %div3A_34, %sub3A_54 : i32
    %select_n3A_56 = arith.select %and3A_53, %sub3A_55, %div3A_34 : i32
    %mul3A_57 = arith.constant 4 : i32
    %mul3A_58 = arith.muli %select_n3A_56, %mul3A_57 : i32
    "tpu.region"() ({
      %run_scoped3A = tpu.sem_alloc : memref<!tpu.dma_semaphore, #tpu.memory_space<semaphore_mem>>
      %dma_start3A = tpu.memref_slice %arg2[%add3A, %mul3A_32] : memref<8x16384xf32, #tpu.memory_space<hbm>> -> memref<1x4096xf32, #tpu.memory_space<hbm>>
      %dma_start3A_86 = tpu.memref_squeeze %dma_start3A : memref<1x4096xf32, #tpu.memory_space<hbm>> -> memref<4096xf32, #tpu.memory_space<hbm>>
      %dma_start3A_87 = tpu.memref_slice %arg2[%add3A, %mul3A_32] : memref<8x16384xf32, #tpu.memory_space<hbm>> -> memref<1x4096xf32, #tpu.memory_space<hbm>>
      %dma_start3A_88 = tpu.memref_squeeze %dma_start3A_87 : memref<1x4096xf32, #tpu.memory_space<hbm>> -> memref<4096xf32, #tpu.memory_space<hbm>>
      tpu.enqueue_dma source(%dma_start3A_88 : memref<4096xf32, #tpu.memory_space<hbm>>) target(%arg8 : memref<4096xf32, #tpu.memory_space<vmem>>) target_semaphore(%run_scoped3A : memref<!tpu.dma_semaphore, #tpu.memory_space<semaphore_mem>>)
      %dma_wait3A = tpu.memref_slice %arg2[%add3A, %mul3A_32] : memref<8x16384xf32, #tpu.memory_space<hbm>> -> memref<1x4096xf32, #tpu.memory_space<hbm>>
      %dma_wait3A_89 = tpu.memref_squeeze %dma_wait3A : memref<1x4096xf32, #tpu.memory_space<hbm>> -> memref<4096xf32, #tpu.memory_space<hbm>>
      %dma_wait3A_90 = tpu.memref_slice %arg2[%add3A, %mul3A_32] : memref<8x16384xf32, #tpu.memory_space<hbm>> -> memref<1x4096xf32, #tpu.memory_space<hbm>>
      %dma_wait3A_91 = tpu.memref_squeeze %dma_wait3A_90 : memref<1x4096xf32, #tpu.memory_space<hbm>> -> memref<4096xf32, #tpu.memory_space<hbm>>
      tpu.wait_dma2 semaphore(%run_scoped3A : memref<!tpu.dma_semaphore, #tpu.memory_space<semaphore_mem>>) src(%dma_wait3A_91 : memref<4096xf32, #tpu.memory_space<hbm>>) dst(%arg8 : memref<4096xf32, #tpu.memory_space<vmem>>)
      tpu.yield
    }) : () -> ()
    "tpu.region"() ({
      %run_scoped3A = tpu.sem_alloc : memref<!tpu.dma_semaphore, #tpu.memory_space<semaphore_mem>>
      %dma_start3A = tpu.memref_slice %arg3[%add3A, %mul3A_32] : memref<8x16384xf32, #tpu.memory_space<hbm>> -> memref<1x4096xf32, #tpu.memory_space<hbm>>
      %dma_start3A_86 = tpu.memref_squeeze %dma_start3A : memref<1x4096xf32, #tpu.memory_space<hbm>> -> memref<4096xf32, #tpu.memory_space<hbm>>
      %dma_start3A_87 = tpu.memref_slice %arg3[%add3A, %mul3A_32] : memref<8x16384xf32, #tpu.memory_space<hbm>> -> memref<1x4096xf32, #tpu.memory_space<hbm>>
      %dma_start3A_88 = tpu.memref_squeeze %dma_start3A_87 : memref<1x4096xf32, #tpu.memory_space<hbm>> -> memref<4096xf32, #tpu.memory_space<hbm>>
      tpu.enqueue_dma source(%dma_start3A_88 : memref<4096xf32, #tpu.memory_space<hbm>>) target(%arg9 : memref<4096xf32, #tpu.memory_space<vmem>>) target_semaphore(%run_scoped3A : memref<!tpu.dma_semaphore, #tpu.memory_space<semaphore_mem>>)
      %dma_wait3A = tpu.memref_slice %arg3[%add3A, %mul3A_32] : memref<8x16384xf32, #tpu.memory_space<hbm>> -> memref<1x4096xf32, #tpu.memory_space<hbm>>
      %dma_wait3A_89 = tpu.memref_squeeze %dma_wait3A : memref<1x4096xf32, #tpu.memory_space<hbm>> -> memref<4096xf32, #tpu.memory_space<hbm>>
      %dma_wait3A_90 = tpu.memref_slice %arg3[%add3A, %mul3A_32] : memref<8x16384xf32, #tpu.memory_space<hbm>> -> memref<1x4096xf32, #tpu.memory_space<hbm>>
      %dma_wait3A_91 = tpu.memref_squeeze %dma_wait3A_90 : memref<1x4096xf32, #tpu.memory_space<hbm>> -> memref<4096xf32, #tpu.memory_space<hbm>>
      tpu.wait_dma2 semaphore(%run_scoped3A : memref<!tpu.dma_semaphore, #tpu.memory_space<semaphore_mem>>) src(%dma_wait3A_91 : memref<4096xf32, #tpu.memory_space<hbm>>) dst(%arg9 : memref<4096xf32, #tpu.memory_space<vmem>>)
      tpu.yield
    }) : () -> ()
    "tpu.region"() ({
      %run_scoped3A = tpu.sem_alloc : memref<!tpu.dma_semaphore, #tpu.memory_space<semaphore_mem>>
      %dma_start3A = tpu.memref_slice %arg4[%add3A, %mul3A_32] : memref<8x16384xf32, #tpu.memory_space<hbm>> -> memref<1x4096xf32, #tpu.memory_space<hbm>>
      %dma_start3A_86 = tpu.memref_squeeze %dma_start3A : memref<1x4096xf32, #tpu.memory_space<hbm>> -> memref<4096xf32, #tpu.memory_space<hbm>>
      %dma_start3A_87 = tpu.memref_slice %arg4[%add3A, %mul3A_32] : memref<8x16384xf32, #tpu.memory_space<hbm>> -> memref<1x4096xf32, #tpu.memory_space<hbm>>
      %dma_start3A_88 = tpu.memref_squeeze %dma_start3A_87 : memref<1x4096xf32, #tpu.memory_space<hbm>> -> memref<4096xf32, #tpu.memory_space<hbm>>
      tpu.enqueue_dma source(%dma_start3A_88 : memref<4096xf32, #tpu.memory_space<hbm>>) target(%arg10 : memref<4096xf32, #tpu.memory_space<vmem>>) target_semaphore(%run_scoped3A : memref<!tpu.dma_semaphore, #tpu.memory_space<semaphore_mem>>)
      %dma_wait3A = tpu.memref_slice %arg4[%add3A, %mul3A_32] : memref<8x16384xf32, #tpu.memory_space<hbm>> -> memref<1x4096xf32, #tpu.memory_space<hbm>>
      %dma_wait3A_89 = tpu.memref_squeeze %dma_wait3A : memref<1x4096xf32, #tpu.memory_space<hbm>> -> memref<4096xf32, #tpu.memory_space<hbm>>
      %dma_wait3A_90 = tpu.memref_slice %arg4[%add3A, %mul3A_32] : memref<8x16384xf32, #tpu.memory_space<hbm>> -> memref<1x4096xf32, #tpu.memory_space<hbm>>
      %dma_wait3A_91 = tpu.memref_squeeze %dma_wait3A_90 : memref<1x4096xf32, #tpu.memory_space<hbm>> -> memref<4096xf32, #tpu.memory_space<hbm>>
      tpu.wait_dma2 semaphore(%run_scoped3A : memref<!tpu.dma_semaphore, #tpu.memory_space<semaphore_mem>>) src(%dma_wait3A_91 : memref<4096xf32, #tpu.memory_space<hbm>>) dst(%arg10 : memref<4096xf32, #tpu.memory_space<vmem>>)
      tpu.yield
    }) : () -> ()
    %broadcast_in_dim3A = arith.constant 1.000000e+10 : f32
    %broadcast_in_dim3A_59 = vector.broadcast %broadcast_in_dim3A : f32 to vector<16xf32>
    %scan3A = arith.constant 0 : i32
    %scan3A_60 = arith.constant 0 : i32
    %scan3A_61 = arith.constant 256 : i32
    %scan3A_62 = arith.addi %scan3A_60, %scan3A_61 : i32
    %scan3A_63 = arith.constant 8 : i32
    scf.for %scan3A_86 = %scan3A_60 to %scan3A_62 step %scan3A_63  : i32 {
      %mul3A_87 = arith.constant 16 : i32
      %mul3A_88 = arith.muli %scan3A_86, %mul3A_87 : i32
      %swap3A = arith.index_cast %mul3A_88 : i32 to index
      %swap3A_89 = tpu.vector_load %arg11[%swap3A] {strides = array<i32>} : memref<4096xf32, #tpu.memory_space<vmem>>, vector<16xf32>,
      tpu.vector_store %arg11[%swap3A], %broadcast_in_dim3A_59 {strides = array<i32>} : memref<4096xf32, #tpu.memory_space<vmem>>, vector<16xf32>,
      %scan3A_90 = arith.constant 1 : i32
      %scan3A_91 = arith.addi %scan3A_86, %scan3A_90 : i32
      %mul3A_92 = arith.constant 16 : i32
      %mul3A_93 = arith.muli %scan3A_91, %mul3A_92 : i32
      %swap3A_94 = arith.index_cast %mul3A_93 : i32 to index
      %swap3A_95 = tpu.vector_load %arg11[%swap3A_94] {strides = array<i32>} : memref<4096xf32, #tpu.memory_space<vmem>>, vector<16xf32>,
      tpu.vector_store %arg11[%swap3A_94], %broadcast_in_dim3A_59 {strides = array<i32>} : memref<4096xf32, #tpu.memory_space<vmem>>, vector<16xf32>,
      %scan3A_96 = arith.constant 2 : i32
      %scan3A_97 = arith.addi %scan3A_86, %scan3A_96 : i32
      %mul3A_98 = arith.constant 16 : i32
      %mul3A_99 = arith.muli %scan3A_97, %mul3A_98 : i32
      %swap3A_100 = arith.index_cast %mul3A_99 : i32 to index
      %swap3A_101 = tpu.vector_load %arg11[%swap3A_100] {strides = array<i32>} : memref<4096xf32, #tpu.memory_space<vmem>>, vector<16xf32>,
      tpu.vector_store %arg11[%swap3A_100], %broadcast_in_dim3A_59 {strides = array<i32>} : memref<4096xf32, #tpu.memory_space<vmem>>, vector<16xf32>,
      %scan3A_102 = arith.constant 3 : i32
      %scan3A_103 = arith.addi %scan3A_86, %scan3A_102 : i32
      %mul3A_104 = arith.constant 16 : i32
      %mul3A_105 = arith.muli %scan3A_103, %mul3A_104 : i32
      %swap3A_106 = arith.index_cast %mul3A_105 : i32 to index
      %swap3A_107 = tpu.vector_load %arg11[%swap3A_106] {strides = array<i32>} : memref<4096xf32, #tpu.memory_space<vmem>>, vector<16xf32>,
      tpu.vector_store %arg11[%swap3A_106], %broadcast_in_dim3A_59 {strides = array<i32>} : memref<4096xf32, #tpu.memory_space<vmem>>, vector<16xf32>,
      %scan3A_108 = arith.constant 4 : i32
      %scan3A_109 = arith.addi %scan3A_86, %scan3A_108 : i32
      %mul3A_110 = arith.constant 16 : i32
      %mul3A_111 = arith.muli %scan3A_109, %mul3A_110 : i32
      %swap3A_112 = arith.index_cast %mul3A_111 : i32 to index
      %swap3A_113 = tpu.vector_load %arg11[%swap3A_112] {strides = array<i32>} : memref<4096xf32, #tpu.memory_space<vmem>>, vector<16xf32>,
      tpu.vector_store %arg11[%swap3A_112], %broadcast_in_dim3A_59 {strides = array<i32>} : memref<4096xf32, #tpu.memory_space<vmem>>, vector<16xf32>,
      %scan3A_114 = arith.constant 5 : i32
      %scan3A_115 = arith.addi %scan3A_86, %scan3A_114 : i32
      %mul3A_116 = arith.constant 16 : i32
      %mul3A_117 = arith.muli %scan3A_115, %mul3A_116 : i32
      %swap3A_118 = arith.index_cast %mul3A_117 : i32 to index
      %swap3A_119 = tpu.vector_load %arg11[%swap3A_118] {strides = array<i32>} : memref<4096xf32, #tpu.memory_space<vmem>>, vector<16xf32>,
      tpu.vector_store %arg11[%swap3A_118], %broadcast_in_dim3A_59 {strides = array<i32>} : memref<4096xf32, #tpu.memory_space<vmem>>, vector<16xf32>,
      %scan3A_120 = arith.constant 6 : i32
      %scan3A_121 = arith.addi %scan3A_86, %scan3A_120 : i32
      %mul3A_122 = arith.constant 16 : i32
      %mul3A_123 = arith.muli %scan3A_121, %mul3A_122 : i32
      %swap3A_124 = arith.index_cast %mul3A_123 : i32 to index
      %swap3A_125 = tpu.vector_load %arg11[%swap3A_124] {strides = array<i32>} : memref<4096xf32, #tpu.memory_space<vmem>>, vector<16xf32>,
      tpu.vector_store %arg11[%swap3A_124], %broadcast_in_dim3A_59 {strides = array<i32>} : memref<4096xf32, #tpu.memory_space<vmem>>, vector<16xf32>,
      %scan3A_126 = arith.constant 7 : i32
      %scan3A_127 = arith.addi %scan3A_86, %scan3A_126 : i32
      %mul3A_128 = arith.constant 16 : i32
      %mul3A_129 = arith.muli %scan3A_127, %mul3A_128 : i32
      %swap3A_130 = arith.index_cast %mul3A_129 : i32 to index
      %swap3A_131 = tpu.vector_load %arg11[%swap3A_130] {strides = array<i32>} : memref<4096xf32, #tpu.memory_space<vmem>>, vector<16xf32>,
      tpu.vector_store %arg11[%swap3A_130], %broadcast_in_dim3A_59 {strides = array<i32>} : memref<4096xf32, #tpu.memory_space<vmem>>, vector<16xf32>,
    }
    %scan3A_64 = arith.constant 256 : i32
    %iota3A = tpu.iota {dimensions = array<i32: 0>} : vector<16xi32>
    %eq3A_65 = arith.constant 0 : i32
    %eq3A_66 = vector.broadcast %eq3A_65 : i32 to vector<16xi32>
    %eq3A_67 = arith.cmpi eq, %iota3A, %eq3A_66 : vector<16xi32>
    "tpu.region"() ({
      %run_scoped3A = tpu.sem_alloc : memref<!tpu.dma_semaphore, #tpu.memory_space<semaphore_mem>>
      %dma_start3A = arith.constant 0 : i32
      %dma_start3A_86 = tpu.memref_slice %arg2[%add3A, %dma_start3A] : memref<8x16384xf32, #tpu.memory_space<hbm>> -> memref<1x16xf32, #tpu.memory_space<hbm>>
      %dma_start3A_87 = tpu.memref_squeeze %dma_start3A_86 : memref<1x16xf32, #tpu.memory_space<hbm>> -> memref<16xf32, #tpu.memory_space<hbm>>
      %dma_start3A_88 = arith.constant 0 : i32
      %dma_start3A_89 = tpu.memref_slice %arg2[%add3A, %dma_start3A_88] : memref<8x16384xf32, #tpu.memory_space<hbm>> -> memref<1x16xf32, #tpu.memory_space<hbm>>
      %dma_start3A_90 = tpu.memref_squeeze %dma_start3A_89 : memref<1x16xf32, #tpu.memory_space<hbm>> -> memref<16xf32, #tpu.memory_space<hbm>>
      tpu.enqueue_dma source(%dma_start3A_90 : memref<16xf32, #tpu.memory_space<hbm>>) target(%arg15 : memref<16xf32, #tpu.memory_space<vmem>>) target_semaphore(%run_scoped3A : memref<!tpu.dma_semaphore, #tpu.memory_space<semaphore_mem>>)
      %dma_wait3A = arith.constant 0 : i32
      %dma_wait3A_91 = tpu.memref_slice %arg2[%add3A, %dma_wait3A] : memref<8x16384xf32, #tpu.memory_space<hbm>> -> memref<1x16xf32, #tpu.memory_space<hbm>>
      %dma_wait3A_92 = tpu.memref_squeeze %dma_wait3A_91 : memref<1x16xf32, #tpu.memory_space<hbm>> -> memref<16xf32, #tpu.memory_space<hbm>>
      %dma_wait3A_93 = arith.constant 0 : i32
      %dma_wait3A_94 = tpu.memref_slice %arg2[%add3A, %dma_wait3A_93] : memref<8x16384xf32, #tpu.memory_space<hbm>> -> memref<1x16xf32, #tpu.memory_space<hbm>>
      %dma_wait3A_95 = tpu.memref_squeeze %dma_wait3A_94 : memref<1x16xf32, #tpu.memory_space<hbm>> -> memref<16xf32, #tpu.memory_space<hbm>>
      tpu.wait_dma2 semaphore(%run_scoped3A : memref<!tpu.dma_semaphore, #tpu.memory_space<semaphore_mem>>) src(%dma_wait3A_95 : memref<16xf32, #tpu.memory_space<hbm>>) dst(%arg15 : memref<16xf32, #tpu.memory_space<vmem>>)
      tpu.yield
    }) : () -> ()
    %get3A = arith.constant 0 : index
    %get3A_68 = tpu.vector_load %arg15[%get3A] {strides = array<i32>} : memref<16xf32, #tpu.memory_space<vmem>>, vector<16xf32>,
    %slice3A = vector.extract_strided_slice %get3A_68 {offsets = [0], sizes = [1], strides = [1]} : vector<16xf32> to vector<1xf32>
    %squeeze3A = vector.extract %slice3A[0] : f32 from vector<1xf32>
    "tpu.region"() ({
      %run_scoped3A = tpu.sem_alloc : memref<!tpu.dma_semaphore, #tpu.memory_space<semaphore_mem>>
      %dma_start3A = arith.constant 0 : i32
      %dma_start3A_86 = tpu.memref_slice %arg3[%add3A, %dma_start3A] : memref<8x16384xf32, #tpu.memory_space<hbm>> -> memref<1x16xf32, #tpu.memory_space<hbm>>
      %dma_start3A_87 = tpu.memref_squeeze %dma_start3A_86 : memref<1x16xf32, #tpu.memory_space<hbm>> -> memref<16xf32, #tpu.memory_space<hbm>>
      %dma_start3A_88 = arith.constant 0 : i32
      %dma_start3A_89 = tpu.memref_slice %arg3[%add3A, %dma_start3A_88] : memref<8x16384xf32, #tpu.memory_space<hbm>> -> memref<1x16xf32, #tpu.memory_space<hbm>>
      %dma_start3A_90 = tpu.memref_squeeze %dma_start3A_89 : memref<1x16xf32, #tpu.memory_space<hbm>> -> memref<16xf32, #tpu.memory_space<hbm>>
      tpu.enqueue_dma source(%dma_start3A_90 : memref<16xf32, #tpu.memory_space<hbm>>) target(%arg15 : memref<16xf32, #tpu.memory_space<vmem>>) target_semaphore(%run_scoped3A : memref<!tpu.dma_semaphore, #tpu.memory_space<semaphore_mem>>)
      %dma_wait3A = arith.constant 0 : i32
      %dma_wait3A_91 = tpu.memref_slice %arg3[%add3A, %dma_wait3A] : memref<8x16384xf32, #tpu.memory_space<hbm>> -> memref<1x16xf32, #tpu.memory_space<hbm>>
      %dma_wait3A_92 = tpu.memref_squeeze %dma_wait3A_91 : memref<1x16xf32, #tpu.memory_space<hbm>> -> memref<16xf32, #tpu.memory_space<hbm>>
      %dma_wait3A_93 = arith.constant 0 : i32
      %dma_wait3A_94 = tpu.memref_slice %arg3[%add3A, %dma_wait3A_93] : memref<8x16384xf32, #tpu.memory_space<hbm>> -> memref<1x16xf32, #tpu.memory_space<hbm>>
      %dma_wait3A_95 = tpu.memref_squeeze %dma_wait3A_94 : memref<1x16xf32, #tpu.memory_space<hbm>> -> memref<16xf32, #tpu.memory_space<hbm>>
      tpu.wait_dma2 semaphore(%run_scoped3A : memref<!tpu.dma_semaphore, #tpu.memory_space<semaphore_mem>>) src(%dma_wait3A_95 : memref<16xf32, #tpu.memory_space<hbm>>) dst(%arg15 : memref<16xf32, #tpu.memory_space<vmem>>)
      tpu.yield
    }) : () -> ()
    %get3A_69 = arith.constant 0 : index
    %get3A_70 = tpu.vector_load %arg15[%get3A_69] {strides = array<i32>} : memref<16xf32, #tpu.memory_space<vmem>>, vector<16xf32>,
    %slice3A_71 = vector.extract_strided_slice %get3A_70 {offsets = [0], sizes = [1], strides = [1]} : vector<16xf32> to vector<1xf32>
    %squeeze3A_72 = vector.extract %slice3A_71[0] : f32 from vector<1xf32>
    "tpu.region"() ({
      %run_scoped3A = tpu.sem_alloc : memref<!tpu.dma_semaphore, #tpu.memory_space<semaphore_mem>>
      %dma_start3A = arith.constant 0 : i32
      %dma_start3A_86 = tpu.memref_slice %arg4[%add3A, %dma_start3A] : memref<8x16384xf32, #tpu.memory_space<hbm>> -> memref<1x16xf32, #tpu.memory_space<hbm>>
      %dma_start3A_87 = tpu.memref_squeeze %dma_start3A_86 : memref<1x16xf32, #tpu.memory_space<hbm>> -> memref<16xf32, #tpu.memory_space<hbm>>
      %dma_start3A_88 = arith.constant 0 : i32
      %dma_start3A_89 = tpu.memref_slice %arg4[%add3A, %dma_start3A_88] : memref<8x16384xf32, #tpu.memory_space<hbm>> -> memref<1x16xf32, #tpu.memory_space<hbm>>
      %dma_start3A_90 = tpu.memref_squeeze %dma_start3A_89 : memref<1x16xf32, #tpu.memory_space<hbm>> -> memref<16xf32, #tpu.memory_space<hbm>>
      tpu.enqueue_dma source(%dma_start3A_90 : memref<16xf32, #tpu.memory_space<hbm>>) target(%arg15 : memref<16xf32, #tpu.memory_space<vmem>>) target_semaphore(%run_scoped3A : memref<!tpu.dma_semaphore, #tpu.memory_space<semaphore_mem>>)
      %dma_wait3A = arith.constant 0 : i32
      %dma_wait3A_91 = tpu.memref_slice %arg4[%add3A, %dma_wait3A] : memref<8x16384xf32, #tpu.memory_space<hbm>> -> memref<1x16xf32, #tpu.memory_space<hbm>>
      %dma_wait3A_92 = tpu.memref_squeeze %dma_wait3A_91 : memref<1x16xf32, #tpu.memory_space<hbm>> -> memref<16xf32, #tpu.memory_space<hbm>>
      %dma_wait3A_93 = arith.constant 0 : i32
      %dma_wait3A_94 = tpu.memref_slice %arg4[%add3A, %dma_wait3A_93] : memref<8x16384xf32, #tpu.memory_space<hbm>> -> memref<1x16xf32, #tpu.memory_space<hbm>>
      %dma_wait3A_95 = tpu.memref_squeeze %dma_wait3A_94 : memref<1x16xf32, #tpu.memory_space<hbm>> -> memref<16xf32, #tpu.memory_space<hbm>>
      tpu.wait_dma2 semaphore(%run_scoped3A : memref<!tpu.dma_semaphore, #tpu.memory_space<semaphore_mem>>) src(%dma_wait3A_95 : memref<16xf32, #tpu.memory_space<hbm>>) dst(%arg15 : memref<16xf32, #tpu.memory_space<vmem>>)
      tpu.yield
    }) : () -> ()
    %get3A_73 = arith.constant 0 : index
    %get3A_74 = tpu.vector_load %arg15[%get3A_73] {strides = array<i32>} : memref<16xf32, #tpu.memory_space<vmem>>, vector<16xf32>,
    %slice3A_75 = vector.extract_strided_slice %get3A_74 {offsets = [0], sizes = [1], strides = [1]} : vector<16xf32> to vector<1xf32>
    %squeeze3A_76 = vector.extract %slice3A_75[0] : f32 from vector<1xf32>
    %scan3A_77 = arith.constant 0 : i32
    %scan3A_78 = arith.constant 2048 : i32
    %scan3A_79 = arith.addi %scan3A_77, %scan3A_78 : i32
    %scan3A_80 = arith.constant 1 : i32
    %scan3A_81:3 = scf.for %scan3A_86 = %scan3A_77 to %scan3A_79 step %scan3A_80 iter_args(%scan3A_87 = %squeeze3A, %scan3A_88 = %squeeze3A_72, %scan3A_89 = %squeeze3A_76) -> (f32, f32, f32)  : i32 {
      %broadcast_in_dim3A_90 = arith.constant -1.000000e+00 : f32
      %broadcast_in_dim3A_91 = vector.broadcast %broadcast_in_dim3A_90 : f32 to vector<16xf32>
      %broadcast_in_dim3A_92 = arith.constant 0 : i32
      %broadcast_in_dim3A_93 = vector.broadcast %broadcast_in_dim3A_92 : i32 to vector<16xi32>
      %parallel_loop3A = arith.constant 0 : i32
      %parallel_loop3A_94 = arith.constant 256 : i32
      %parallel_loop3A_95 = arith.constant 1 : i32
      %parallel_loop3A_96:2 = scf.for %parallel_loop3A_212 = %parallel_loop3A to %parallel_loop3A_94 step %parallel_loop3A_95 iter_args(%parallel_loop3A_213 = %broadcast_in_dim3A_91, %parallel_loop3A_214 = %broadcast_in_dim3A_93) -> (vector<16xf32>, vector<16xi32>)  : i32 {
        %parallel_loop3A_215 = arith.constant 16 : i32
        %parallel_loop3A_216 = arith.muli %parallel_loop3A_212, %parallel_loop3A_215 : i32
        %parallel_loop3A_217 = tpu.assume_multiple %parallel_loop3A_216, 16 : i32
        %parallel_loop3A_218 = arith.index_cast %parallel_loop3A_217 : i32 to index
        %parallel_loop3A_219 = tpu.vector_load %arg8[%parallel_loop3A_218] {strides = array<i32>} : memref<4096xf32, #tpu.memory_space<vmem>>, vector<16xf32>,
        %parallel_loop3A_220 = vector.broadcast %scan3A_87 : f32 to vector<16xf32>
        %parallel_loop3A_221 = arith.subf %parallel_loop3A_219, %parallel_loop3A_220 : vector<16xf32>
        %parallel_loop3A_222 = arith.index_cast %parallel_loop3A_217 : i32 to index
        %parallel_loop3A_223 = tpu.vector_load %arg9[%parallel_loop3A_222] {strides = array<i32>} : memref<4096xf32, #tpu.memory_space<vmem>>, vector<16xf32>,
        %parallel_loop3A_224 = vector.broadcast %scan3A_88 : f32 to vector<16xf32>
        %parallel_loop3A_225 = arith.subf %parallel_loop3A_223, %parallel_loop3A_224 : vector<16xf32>
        %parallel_loop3A_226 = arith.index_cast %parallel_loop3A_217 : i32 to index
        %parallel_loop3A_227 = tpu.vector_load %arg10[%parallel_loop3A_226] {strides = array<i32>} : memref<4096xf32, #tpu.memory_space<vmem>>, vector<16xf32>,
        %parallel_loop3A_228 = vector.broadcast %scan3A_89 : f32 to vector<16xf32>
        %parallel_loop3A_229 = arith.subf %parallel_loop3A_227, %parallel_loop3A_228 : vector<16xf32>
        %parallel_loop3A_230 = arith.mulf %parallel_loop3A_221, %parallel_loop3A_221 : vector<16xf32>
        %parallel_loop3A_231 = arith.mulf %parallel_loop3A_225, %parallel_loop3A_225 : vector<16xf32>
        %parallel_loop3A_232 = arith.addf %parallel_loop3A_230, %parallel_loop3A_231 : vector<16xf32>
        %parallel_loop3A_233 = arith.mulf %parallel_loop3A_229, %parallel_loop3A_229 : vector<16xf32>
        %parallel_loop3A_234 = arith.addf %parallel_loop3A_232, %parallel_loop3A_233 : vector<16xf32>
        %parallel_loop3A_235 = arith.index_cast %parallel_loop3A_217 : i32 to index
        %parallel_loop3A_236 = tpu.vector_load %arg11[%parallel_loop3A_235] {strides = array<i32>} : memref<4096xf32, #tpu.memory_space<vmem>>, vector<16xf32>,
        %parallel_loop3A_237 = arith.minimumf %parallel_loop3A_236, %parallel_loop3A_234 : vector<16xf32>
        %parallel_loop3A_238 = arith.index_cast %parallel_loop3A_217 : i32 to index
        %parallel_loop3A_239 = tpu.vector_load %arg11[%parallel_loop3A_238] {strides = array<i32>} : memref<4096xf32, #tpu.memory_space<vmem>>, vector<16xf32>,
        tpu.vector_store %arg11[%parallel_loop3A_238], %parallel_loop3A_237 {strides = array<i32>} : memref<4096xf32, #tpu.memory_space<vmem>>, vector<16xf32>,
        %parallel_loop3A_240 = arith.cmpf ogt, %parallel_loop3A_237, %parallel_loop3A_213 : vector<16xf32>
        %parallel_loop3A_241 = arith.select %parallel_loop3A_240, %parallel_loop3A_237, %parallel_loop3A_213 : vector<16xi1>, vector<16xf32>
        %parallel_loop3A_242 = vector.broadcast %parallel_loop3A_217 : i32 to vector<16xi32>
        %parallel_loop3A_243 = arith.addi %iota3A, %parallel_loop3A_242 : vector<16xi32>
        %parallel_loop3A_244 = arith.select %parallel_loop3A_240, %parallel_loop3A_243, %parallel_loop3A_214 : vector<16xi1>, vector<16xi32>
        scf.yield %parallel_loop3A_241, %parallel_loop3A_244 : vector<16xf32>, vector<16xi32>
      } {sc.loop_unroll_factor = 8 : i64, sc.parallel_access}
      %reduce_max3A = arith.constant true
      %reduce_max3A_97 = vector.broadcast %reduce_max3A : i1 to vector<16xi1>
      %reduce_max3A_98 = tpu.scan <max>, %parallel_loop3A_96#0 masked %reduce_max3A_97 : vector<16xf32>, vector<16xi1> -> vector<16xf32>
      %reduce_max3A_99 = vector.extract %reduce_max3A_98[15] : f32 from vector<16xf32>
      %eq3A_100 = vector.broadcast %reduce_max3A_99 : f32 to vector<16xf32>
      %eq3A_101 = arith.cmpf oeq, %parallel_loop3A_96#0, %eq3A_100 : vector<16xf32>
      %jit3A_102 = arith.constant 4096 : i32
      %broadcast_in_dim3A_103 = vector.broadcast %jit3A_102 : i32 to vector<16xi32>
      %select_n3A_104 = arith.select %eq3A_101, %parallel_loop3A_96#1, %broadcast_in_dim3A_103 : vector<16xi1>, vector<16xi32>
      %reduce_min3A = arith.constant true
      %reduce_min3A_105 = vector.broadcast %reduce_min3A : i1 to vector<16xi1>
      %reduce_min3A_106 = arith.constant -2147483648 : i32
      %reduce_min3A_107 = vector.broadcast %reduce_min3A_106 : i32 to vector<16xi32>
      %reduce_min3A_108 = arith.xori %select_n3A_104, %reduce_min3A_107 : vector<16xi32>
      %reduce_min3A_109 = tpu.scan <min>, %reduce_min3A_108 masked %reduce_min3A_105 : vector<16xi32>, vector<16xi1> -> vector<16xi32>
      %reduce_min3A_110 = arith.xori %reduce_min3A_109, %reduce_min3A_107 : vector<16xi32>
      %reduce_min3A_111 = vector.extract %reduce_min3A_110[15] : i32 from vector<16xi32>
      %broadcast_in_dim3A_112 = vector.broadcast %reduce_min3A_111 : i32 to vector<16xi32>
      %gather3A = tpu.vector_load_idx %arg8[%broadcast_in_dim3A_112] : memref<4096xf32, #tpu.memory_space<vmem>>[vector<16xi32>], vector<16xf32>,
      %slice3A_113 = vector.extract_strided_slice %gather3A {offsets = [0], sizes = [1], strides = [1]} : vector<16xf32> to vector<1xf32>
      %squeeze3A_114 = vector.extract %slice3A_113[0] : f32 from vector<1xf32>
      %gather3A_115 = tpu.vector_load_idx %arg9[%broadcast_in_dim3A_112] : memref<4096xf32, #tpu.memory_space<vmem>>[vector<16xi32>], vector<16xf32>,
      %slice3A_116 = vector.extract_strided_slice %gather3A_115 {offsets = [0], sizes = [1], strides = [1]} : vector<16xf32> to vector<1xf32>
      %squeeze3A_117 = vector.extract %slice3A_116[0] : f32 from vector<1xf32>
      %gather3A_118 = tpu.vector_load_idx %arg10[%broadcast_in_dim3A_112] : memref<4096xf32, #tpu.memory_space<vmem>>[vector<16xi32>], vector<16xf32>,
      %slice3A_119 = vector.extract_strided_slice %gather3A_118 {offsets = [0], sizes = [1], strides = [1]} : vector<16xf32> to vector<1xf32>
      %squeeze3A_120 = vector.extract %slice3A_119[0] : f32 from vector<1xf32>
      %broadcast_in_dim3A_121 = vector.broadcast %squeeze3A_120 : f32 to vector<16xf32>
      %eq3A_122 = arith.constant 0 : i32
      %eq3A_123 = vector.broadcast %eq3A_122 : i32 to vector<16xi32>
      %eq3A_124 = arith.cmpi eq, %iota3A, %eq3A_123 : vector<16xi32>
      %broadcast_in_dim3A_125 = vector.broadcast %reduce_max3A_99 : f32 to vector<16xf32>
      %select_n3A_126 = arith.select %eq3A_124, %broadcast_in_dim3A_125, %broadcast_in_dim3A_121 : vector<16xi1>, vector<16xf32>
      %eq3A_127 = arith.constant 1 : i32
      %eq3A_128 = vector.broadcast %eq3A_127 : i32 to vector<16xi32>
      %eq3A_129 = arith.cmpi eq, %iota3A, %eq3A_128 : vector<16xi32>
      %broadcast_in_dim3A_130 = vector.broadcast %squeeze3A_114 : f32 to vector<16xf32>
      %select_n3A_131 = arith.select %eq3A_129, %broadcast_in_dim3A_130, %select_n3A_126 : vector<16xi1>, vector<16xf32>
      %eq3A_132 = arith.constant 2 : i32
      %eq3A_133 = vector.broadcast %eq3A_132 : i32 to vector<16xi32>
      %eq3A_134 = arith.cmpi eq, %iota3A, %eq3A_133 : vector<16xi32>
      %broadcast_in_dim3A_135 = vector.broadcast %squeeze3A_117 : f32 to vector<16xf32>
      %select_n3A_136 = arith.select %eq3A_134, %broadcast_in_dim3A_135, %select_n3A_131 : vector<16xi1>, vector<16xf32>
      %swap3A = arith.constant 0 : index
      %swap3A_137 = tpu.vector_load %arg15[%swap3A] {strides = array<i32>} : memref<16xf32, #tpu.memory_space<vmem>>, vector<16xf32>,
      tpu.vector_store %arg15[%swap3A], %select_n3A_136 {strides = array<i32>} : memref<16xf32, #tpu.memory_space<vmem>>, vector<16xf32>,
      %rem3A_138 = arith.constant 2 : i32
      %rem3A_139 = arith.remsi %scan3A_86, %rem3A_138 : i32
      "tpu.region"() ({
        %run_scoped3A = tpu.sem_alloc : memref<!tpu.dma_semaphore, #tpu.memory_space<semaphore_mem>>
        %dma_start3A = arith.constant 0 : i32
        %dma_start3A_212 = tpu.memref_slice %arg17[%rem3A_139, %arg1, %dma_start3A] : memref<2x16x16xf32, #tpu.memory_space<vmem_shared>> -> memref<1x1x16xf32, #tpu.memory_space<vmem_shared>>
        %dma_start3A_213 = tpu.memref_squeeze %dma_start3A_212 : memref<1x1x16xf32, #tpu.memory_space<vmem_shared>> -> memref<16xf32, #tpu.memory_space<vmem_shared>>
        %dma_start3A_214 = arith.constant 0 : i32
        %dma_start3A_215 = tpu.memref_slice %arg17[%rem3A_139, %arg1, %dma_start3A_214] : memref<2x16x16xf32, #tpu.memory_space<vmem_shared>> -> memref<1x1x16xf32, #tpu.memory_space<vmem_shared>>
        %dma_start3A_216 = tpu.memref_squeeze %dma_start3A_215 : memref<1x1x16xf32, #tpu.memory_space<vmem_shared>> -> memref<16xf32, #tpu.memory_space<vmem_shared>>
        tpu.enqueue_dma source(%arg15 : memref<16xf32, #tpu.memory_space<vmem>>) target(%dma_start3A_216 : memref<16xf32, #tpu.memory_space<vmem_shared>>) target_semaphore(%run_scoped3A : memref<!tpu.dma_semaphore, #tpu.memory_space<semaphore_mem>>)
        %dma_wait3A = arith.constant 0 : i32
        %dma_wait3A_217 = tpu.memref_slice %arg17[%rem3A_139, %arg1, %dma_wait3A] : memref<2x16x16xf32, #tpu.memory_space<vmem_shared>> -> memref<1x1x16xf32, #tpu.memory_space<vmem_shared>>
        %dma_wait3A_218 = tpu.memref_squeeze %dma_wait3A_217 : memref<1x1x16xf32, #tpu.memory_space<vmem_shared>> -> memref<16xf32, #tpu.memory_space<vmem_shared>>
        %dma_wait3A_219 = arith.constant 0 : i32
        %dma_wait3A_220 = tpu.memref_slice %arg17[%rem3A_139, %arg1, %dma_wait3A_219] : memref<2x16x16xf32, #tpu.memory_space<vmem_shared>> -> memref<1x1x16xf32, #tpu.memory_space<vmem_shared>>
        %dma_wait3A_221 = tpu.memref_squeeze %dma_wait3A_220 : memref<1x1x16xf32, #tpu.memory_space<vmem_shared>> -> memref<16xf32, #tpu.memory_space<vmem_shared>>
        tpu.wait_dma2 semaphore(%run_scoped3A : memref<!tpu.dma_semaphore, #tpu.memory_space<semaphore_mem>>) src(%arg15 : memref<16xf32, #tpu.memory_space<vmem>>) dst(%dma_wait3A_221 : memref<16xf32, #tpu.memory_space<vmem_shared>>)
        tpu.yield
      }) : () -> ()
      %broadcast_in_dim3A_140 = vector.broadcast %scan3A_86 : i32 to vector<16xi32>
      %broadcast_in_dim3A_141 = vector.broadcast %scan3A_87 : f32 to vector<16xf32>
      tpu.vector_store_idx %arg12[%broadcast_in_dim3A_140], %broadcast_in_dim3A_141 masked %eq3A_67 : memref<2048xf32, #tpu.memory_space<vmem>>[vector<16xi32>], vector<16xf32>, vector<16xi1>
      %broadcast_in_dim3A_142 = vector.broadcast %scan3A_88 : f32 to vector<16xf32>
      tpu.vector_store_idx %arg13[%broadcast_in_dim3A_140], %broadcast_in_dim3A_142 masked %eq3A_67 : memref<2048xf32, #tpu.memory_space<vmem>>[vector<16xi32>], vector<16xf32>, vector<16xi1>
      %broadcast_in_dim3A_143 = vector.broadcast %scan3A_89 : f32 to vector<16xf32>
      tpu.vector_store_idx %arg14[%broadcast_in_dim3A_140], %broadcast_in_dim3A_143 masked %eq3A_67 : memref<2048xf32, #tpu.memory_space<vmem>>[vector<16xi32>], vector<16xf32>, vector<16xi1>
      %barrier3A = arith.constant 0 : index
      tpu.barrier barrier_id(%barrier3A)
      "tpu.region"() ({
        %run_scoped3A = tpu.sem_alloc : memref<!tpu.dma_semaphore, #tpu.memory_space<semaphore_mem>>
        %dma_start3A = arith.constant 0 : i32
        %dma_start3A_212 = tpu.memref_slice %arg17[%rem3A_139, %mul3A_58, %dma_start3A] : memref<2x16x16xf32, #tpu.memory_space<vmem_shared>> -> memref<1x4x16xf32, #tpu.memory_space<vmem_shared>>
        %dma_start3A_213 = tpu.memref_squeeze %dma_start3A_212 : memref<1x4x16xf32, #tpu.memory_space<vmem_shared>> -> memref<4x16xf32, #tpu.memory_space<vmem_shared>>
        %dma_start3A_214 = arith.constant 0 : i32
        %dma_start3A_215 = tpu.memref_slice %arg17[%rem3A_139, %mul3A_58, %dma_start3A_214] : memref<2x16x16xf32, #tpu.memory_space<vmem_shared>> -> memref<1x4x16xf32, #tpu.memory_space<vmem_shared>>
        %dma_start3A_216 = tpu.memref_squeeze %dma_start3A_215 : memref<1x4x16xf32, #tpu.memory_space<vmem_shared>> -> memref<4x16xf32, #tpu.memory_space<vmem_shared>>
        tpu.enqueue_dma source(%dma_start3A_216 : memref<4x16xf32, #tpu.memory_space<vmem_shared>>) target(%arg16 : memref<4x16xf32, #tpu.memory_space<vmem>>) target_semaphore(%run_scoped3A : memref<!tpu.dma_semaphore, #tpu.memory_space<semaphore_mem>>)
        %dma_wait3A = arith.constant 0 : i32
        %dma_wait3A_217 = tpu.memref_slice %arg17[%rem3A_139, %mul3A_58, %dma_wait3A] : memref<2x16x16xf32, #tpu.memory_space<vmem_shared>> -> memref<1x4x16xf32, #tpu.memory_space<vmem_shared>>
        %dma_wait3A_218 = tpu.memref_squeeze %dma_wait3A_217 : memref<1x4x16xf32, #tpu.memory_space<vmem_shared>> -> memref<4x16xf32, #tpu.memory_space<vmem_shared>>
        %dma_wait3A_219 = arith.constant 0 : i32
        %dma_wait3A_220 = tpu.memref_slice %arg17[%rem3A_139, %mul3A_58, %dma_wait3A_219] : memref<2x16x16xf32, #tpu.memory_space<vmem_shared>> -> memref<1x4x16xf32, #tpu.memory_space<vmem_shared>>
        %dma_wait3A_221 = tpu.memref_squeeze %dma_wait3A_220 : memref<1x4x16xf32, #tpu.memory_space<vmem_shared>> -> memref<4x16xf32, #tpu.memory_space<vmem_shared>>
        tpu.wait_dma2 semaphore(%run_scoped3A : memref<!tpu.dma_semaphore, #tpu.memory_space<semaphore_mem>>) src(%dma_wait3A_221 : memref<4x16xf32, #tpu.memory_space<vmem_shared>>) dst(%arg16 : memref<4x16xf32, #tpu.memory_space<vmem>>)
        tpu.yield
      }) : () -> ()
      %get3A_144 = arith.constant 0 : i32
      %get3A_145 = arith.index_cast %get3A_144 : i32 to index
      %get3A_146 = arith.constant 0 : index
      %get3A_147 = tpu.vector_load %arg16[%get3A_145, %get3A_146] {strides = array<i32>} : memref<4x16xf32, #tpu.memory_space<vmem>>, vector<16xf32>,
      %slice3A_148 = vector.extract_strided_slice %get3A_147 {offsets = [0], sizes = [1], strides = [1]} : vector<16xf32> to vector<1xf32>
      %squeeze3A_149 = vector.extract %slice3A_148[0] : f32 from vector<1xf32>
      %slice3A_150 = vector.extract_strided_slice %get3A_147 {offsets = [1], sizes = [1], strides = [1]} : vector<16xf32> to vector<1xf32>
      %squeeze3A_151 = vector.extract %slice3A_150[0] : f32 from vector<1xf32>
      %slice3A_152 = vector.extract_strided_slice %get3A_147 {offsets = [2], sizes = [1], strides = [1]} : vector<16xf32> to vector<1xf32>
      %squeeze3A_153 = vector.extract %slice3A_152[0] : f32 from vector<1xf32>
      %slice3A_154 = vector.extract_strided_slice %get3A_147 {offsets = [3], sizes = [1], strides = [1]} : vector<16xf32> to vector<1xf32>
      %squeeze3A_155 = vector.extract %slice3A_154[0] : f32 from vector<1xf32>
      %get3A_156 = arith.constant 1 : i32
      %get3A_157 = arith.index_cast %get3A_156 : i32 to index
      %get3A_158 = arith.constant 0 : index
      %get3A_159 = tpu.vector_load %arg16[%get3A_157, %get3A_158] {strides = array<i32>} : memref<4x16xf32, #tpu.memory_space<vmem>>, vector<16xf32>,
      %slice3A_160 = vector.extract_strided_slice %get3A_159 {offsets = [0], sizes = [1], strides = [1]} : vector<16xf32> to vector<1xf32>
      %squeeze3A_161 = vector.extract %slice3A_160[0] : f32 from vector<1xf32>
      %gt3A = arith.cmpf ogt, %squeeze3A_161, %squeeze3A_149 : f32
      %slice3A_162 = vector.extract_strided_slice %get3A_159 {offsets = [0], sizes = [1], strides = [1]} : vector<16xf32> to vector<1xf32>
      %squeeze3A_163 = vector.extract %slice3A_162[0] : f32 from vector<1xf32>
      %select_n3A_164 = arith.select %gt3A, %squeeze3A_163, %squeeze3A_149 : f32
      %slice3A_165 = vector.extract_strided_slice %get3A_159 {offsets = [1], sizes = [1], strides = [1]} : vector<16xf32> to vector<1xf32>
      %squeeze3A_166 = vector.extract %slice3A_165[0] : f32 from vector<1xf32>
      %select_n3A_167 = arith.select %gt3A, %squeeze3A_166, %squeeze3A_151 : f32
      %slice3A_168 = vector.extract_strided_slice %get3A_159 {offsets = [2], sizes = [1], strides = [1]} : vector<16xf32> to vector<1xf32>
      %squeeze3A_169 = vector.extract %slice3A_168[0] : f32 from vector<1xf32>
      %select_n3A_170 = arith.select %gt3A, %squeeze3A_169, %squeeze3A_153 : f32
      %slice3A_171 = vector.extract_strided_slice %get3A_159 {offsets = [3], sizes = [1], strides = [1]} : vector<16xf32> to vector<1xf32>
      %squeeze3A_172 = vector.extract %slice3A_171[0] : f32 from vector<1xf32>
      %select_n3A_173 = arith.select %gt3A, %squeeze3A_172, %squeeze3A_155 : f32
      %get3A_174 = arith.constant 2 : i32
      %get3A_175 = arith.index_cast %get3A_174 : i32 to index
      %get3A_176 = arith.constant 0 : index
      %get3A_177 = tpu.vector_load %arg16[%get3A_175, %get3A_176] {strides = array<i32>} : memref<4x16xf32, #tpu.memory_space<vmem>>, vector<16xf32>,
      %slice3A_178 = vector.extract_strided_slice %get3A_177 {offsets = [0], sizes = [1], strides = [1]} : vector<16xf32> to vector<1xf32>
      %squeeze3A_179 = vector.extract %slice3A_178[0] : f32 from vector<1xf32>
      %gt3A_180 = arith.cmpf ogt, %squeeze3A_179, %select_n3A_164 : f32
      %slice3A_181 = vector.extract_strided_slice %get3A_177 {offsets = [0], sizes = [1], strides = [1]} : vector<16xf32> to vector<1xf32>
      %squeeze3A_182 = vector.extract %slice3A_181[0] : f32 from vector<1xf32>
      %select_n3A_183 = arith.select %gt3A_180, %squeeze3A_182, %select_n3A_164 : f32
      %slice3A_184 = vector.extract_strided_slice %get3A_177 {offsets = [1], sizes = [1], strides = [1]} : vector<16xf32> to vector<1xf32>
      %squeeze3A_185 = vector.extract %slice3A_184[0] : f32 from vector<1xf32>
      %select_n3A_186 = arith.select %gt3A_180, %squeeze3A_185, %select_n3A_167 : f32
      %slice3A_187 = vector.extract_strided_slice %get3A_177 {offsets = [2], sizes = [1], strides = [1]} : vector<16xf32> to vector<1xf32>
      %squeeze3A_188 = vector.extract %slice3A_187[0] : f32 from vector<1xf32>
      %select_n3A_189 = arith.select %gt3A_180, %squeeze3A_188, %select_n3A_170 : f32
      %slice3A_190 = vector.extract_strided_slice %get3A_177 {offsets = [3], sizes = [1], strides = [1]} : vector<16xf32> to vector<1xf32>
      %squeeze3A_191 = vector.extract %slice3A_190[0] : f32 from vector<1xf32>
      %select_n3A_192 = arith.select %gt3A_180, %squeeze3A_191, %select_n3A_173 : f32
      %get3A_193 = arith.constant 3 : i32
      %get3A_194 = arith.index_cast %get3A_193 : i32 to index
      %get3A_195 = arith.constant 0 : index
      %get3A_196 = tpu.vector_load %arg16[%get3A_194, %get3A_195] {strides = array<i32>} : memref<4x16xf32, #tpu.memory_space<vmem>>, vector<16xf32>,
      %slice3A_197 = vector.extract_strided_slice %get3A_196 {offsets = [0], sizes = [1], strides = [1]} : vector<16xf32> to vector<1xf32>
      %squeeze3A_198 = vector.extract %slice3A_197[0] : f32 from vector<1xf32>
      %gt3A_199 = arith.cmpf ogt, %squeeze3A_198, %select_n3A_183 : f32
      %slice3A_200 = vector.extract_strided_slice %get3A_196 {offsets = [0], sizes = [1], strides = [1]} : vector<16xf32> to vector<1xf32>
      %squeeze3A_201 = vector.extract %slice3A_200[0] : f32 from vector<1xf32>
      %select_n3A_202 = arith.select %gt3A_199, %squeeze3A_201, %select_n3A_183 : f32
      %slice3A_203 = vector.extract_strided_slice %get3A_196 {offsets = [1], sizes = [1], strides = [1]} : vector<16xf32> to vector<1xf32>
      %squeeze3A_204 = vector.extract %slice3A_203[0] : f32 from vector<1xf32>
      %select_n3A_205 = arith.select %gt3A_199, %squeeze3A_204, %select_n3A_186 : f32
      %slice3A_206 = vector.extract_strided_slice %get3A_196 {offsets = [2], sizes = [1], strides = [1]} : vector<16xf32> to vector<1xf32>
      %squeeze3A_207 = vector.extract %slice3A_206[0] : f32 from vector<1xf32>
      %select_n3A_208 = arith.select %gt3A_199, %squeeze3A_207, %select_n3A_189 : f32
      %slice3A_209 = vector.extract_strided_slice %get3A_196 {offsets = [3], sizes = [1], strides = [1]} : vector<16xf32> to vector<1xf32>
      %squeeze3A_210 = vector.extract %slice3A_209[0] : f32 from vector<1xf32>
      %select_n3A_211 = arith.select %gt3A_199, %squeeze3A_210, %select_n3A_192 : f32
      scf.yield %select_n3A_205, %select_n3A_208, %select_n3A_211 : f32, f32, f32
    }
    %scan3A_82 = arith.constant 2048 : i32
    %eq3A_83 = arith.constant 0 : i32
    %eq3A_84 = arith.cmpi eq, %select_n3A_30, %eq3A_83 : i32
    %convert_element_type3A = arith.extui %eq3A_84 : i1 to i32
    %cond3A = arith.constant 0 : i32
    %cond3A_85 = arith.cmpi ne, %convert_element_type3A, %cond3A : i32
    scf.if %cond3A_85 {
      "tpu.region"() ({
        %run_scoped3A = tpu.sem_alloc : memref<!tpu.dma_semaphore, #tpu.memory_space<semaphore_mem>>
        %dma_start3A = arith.constant 0 : i32
        %dma_start3A_86 = tpu.memref_slice %arg5[%add3A, %dma_start3A] : memref<8x2048xf32, #tpu.memory_space<hbm>> -> memref<1x2048xf32, #tpu.memory_space<hbm>>
        %dma_start3A_87 = tpu.memref_squeeze %dma_start3A_86 : memref<1x2048xf32, #tpu.memory_space<hbm>> -> memref<2048xf32, #tpu.memory_space<hbm>>
        %dma_start3A_88 = arith.constant 0 : i32
        %dma_start3A_89 = tpu.memref_slice %arg5[%add3A, %dma_start3A_88] : memref<8x2048xf32, #tpu.memory_space<hbm>> -> memref<1x2048xf32, #tpu.memory_space<hbm>>
        %dma_start3A_90 = tpu.memref_squeeze %dma_start3A_89 : memref<1x2048xf32, #tpu.memory_space<hbm>> -> memref<2048xf32, #tpu.memory_space<hbm>>
        tpu.enqueue_dma source(%arg12 : memref<2048xf32, #tpu.memory_space<vmem>>) target(%dma_start3A_90 : memref<2048xf32, #tpu.memory_space<hbm>>) target_semaphore(%run_scoped3A : memref<!tpu.dma_semaphore, #tpu.memory_space<semaphore_mem>>)
        %dma_wait3A = arith.constant 0 : i32
        %dma_wait3A_91 = tpu.memref_slice %arg5[%add3A, %dma_wait3A] : memref<8x2048xf32, #tpu.memory_space<hbm>> -> memref<1x2048xf32, #tpu.memory_space<hbm>>
        %dma_wait3A_92 = tpu.memref_squeeze %dma_wait3A_91 : memref<1x2048xf32, #tpu.memory_space<hbm>> -> memref<2048xf32, #tpu.memory_space<hbm>>
        %dma_wait3A_93 = arith.constant 0 : i32
        %dma_wait3A_94 = tpu.memref_slice %arg5[%add3A, %dma_wait3A_93] : memref<8x2048xf32, #tpu.memory_space<hbm>> -> memref<1x2048xf32, #tpu.memory_space<hbm>>
        %dma_wait3A_95 = tpu.memref_squeeze %dma_wait3A_94 : memref<1x2048xf32, #tpu.memory_space<hbm>> -> memref<2048xf32, #tpu.memory_space<hbm>>
        tpu.wait_dma2 semaphore(%run_scoped3A : memref<!tpu.dma_semaphore, #tpu.memory_space<semaphore_mem>>) src(%arg12 : memref<2048xf32, #tpu.memory_space<vmem>>) dst(%dma_wait3A_95 : memref<2048xf32, #tpu.memory_space<hbm>>)
        tpu.yield
      }) : () -> ()
      "tpu.region"() ({
        %run_scoped3A = tpu.sem_alloc : memref<!tpu.dma_semaphore, #tpu.memory_space<semaphore_mem>>
        %dma_start3A = arith.constant 0 : i32
        %dma_start3A_86 = tpu.memref_slice %arg6[%add3A, %dma_start3A] : memref<8x2048xf32, #tpu.memory_space<hbm>> -> memref<1x2048xf32, #tpu.memory_space<hbm>>
        %dma_start3A_87 = tpu.memref_squeeze %dma_start3A_86 : memref<1x2048xf32, #tpu.memory_space<hbm>> -> memref<2048xf32, #tpu.memory_space<hbm>>
        %dma_start3A_88 = arith.constant 0 : i32
        %dma_start3A_89 = tpu.memref_slice %arg6[%add3A, %dma_start3A_88] : memref<8x2048xf32, #tpu.memory_space<hbm>> -> memref<1x2048xf32, #tpu.memory_space<hbm>>
        %dma_start3A_90 = tpu.memref_squeeze %dma_start3A_89 : memref<1x2048xf32, #tpu.memory_space<hbm>> -> memref<2048xf32, #tpu.memory_space<hbm>>
        tpu.enqueue_dma source(%arg13 : memref<2048xf32, #tpu.memory_space<vmem>>) target(%dma_start3A_90 : memref<2048xf32, #tpu.memory_space<hbm>>) target_semaphore(%run_scoped3A : memref<!tpu.dma_semaphore, #tpu.memory_space<semaphore_mem>>)
        %dma_wait3A = arith.constant 0 : i32
        %dma_wait3A_91 = tpu.memref_slice %arg6[%add3A, %dma_wait3A] : memref<8x2048xf32, #tpu.memory_space<hbm>> -> memref<1x2048xf32, #tpu.memory_space<hbm>>
        %dma_wait3A_92 = tpu.memref_squeeze %dma_wait3A_91 : memref<1x2048xf32, #tpu.memory_space<hbm>> -> memref<2048xf32, #tpu.memory_space<hbm>>
        %dma_wait3A_93 = arith.constant 0 : i32
        %dma_wait3A_94 = tpu.memref_slice %arg6[%add3A, %dma_wait3A_93] : memref<8x2048xf32, #tpu.memory_space<hbm>> -> memref<1x2048xf32, #tpu.memory_space<hbm>>
        %dma_wait3A_95 = tpu.memref_squeeze %dma_wait3A_94 : memref<1x2048xf32, #tpu.memory_space<hbm>> -> memref<2048xf32, #tpu.memory_space<hbm>>
        tpu.wait_dma2 semaphore(%run_scoped3A : memref<!tpu.dma_semaphore, #tpu.memory_space<semaphore_mem>>) src(%arg13 : memref<2048xf32, #tpu.memory_space<vmem>>) dst(%dma_wait3A_95 : memref<2048xf32, #tpu.memory_space<hbm>>)
        tpu.yield
      }) : () -> ()
      "tpu.region"() ({
        %run_scoped3A = tpu.sem_alloc : memref<!tpu.dma_semaphore, #tpu.memory_space<semaphore_mem>>
        %dma_start3A = arith.constant 0 : i32
        %dma_start3A_86 = tpu.memref_slice %arg7[%add3A, %dma_start3A] : memref<8x2048xf32, #tpu.memory_space<hbm>> -> memref<1x2048xf32, #tpu.memory_space<hbm>>
        %dma_start3A_87 = tpu.memref_squeeze %dma_start3A_86 : memref<1x2048xf32, #tpu.memory_space<hbm>> -> memref<2048xf32, #tpu.memory_space<hbm>>
        %dma_start3A_88 = arith.constant 0 : i32
        %dma_start3A_89 = tpu.memref_slice %arg7[%add3A, %dma_start3A_88] : memref<8x2048xf32, #tpu.memory_space<hbm>> -> memref<1x2048xf32, #tpu.memory_space<hbm>>
        %dma_start3A_90 = tpu.memref_squeeze %dma_start3A_89 : memref<1x2048xf32, #tpu.memory_space<hbm>> -> memref<2048xf32, #tpu.memory_space<hbm>>
        tpu.enqueue_dma source(%arg14 : memref<2048xf32, #tpu.memory_space<vmem>>) target(%dma_start3A_90 : memref<2048xf32, #tpu.memory_space<hbm>>) target_semaphore(%run_scoped3A : memref<!tpu.dma_semaphore, #tpu.memory_space<semaphore_mem>>)
        %dma_wait3A = arith.constant 0 : i32
        %dma_wait3A_91 = tpu.memref_slice %arg7[%add3A, %dma_wait3A] : memref<8x2048xf32, #tpu.memory_space<hbm>> -> memref<1x2048xf32, #tpu.memory_space<hbm>>
        %dma_wait3A_92 = tpu.memref_squeeze %dma_wait3A_91 : memref<1x2048xf32, #tpu.memory_space<hbm>> -> memref<2048xf32, #tpu.memory_space<hbm>>
        %dma_wait3A_93 = arith.constant 0 : i32
        %dma_wait3A_94 = tpu.memref_slice %arg7[%add3A, %dma_wait3A_93] : memref<8x2048xf32, #tpu.memory_space<hbm>> -> memref<1x2048xf32, #tpu.memory_space<hbm>>
        %dma_wait3A_95 = tpu.memref_squeeze %dma_wait3A_94 : memref<1x2048xf32, #tpu.memory_space<hbm>> -> memref<2048xf32, #tpu.memory_space<hbm>>
        tpu.wait_dma2 semaphore(%run_scoped3A : memref<!tpu.dma_semaphore, #tpu.memory_space<semaphore_mem>>) src(%arg14 : memref<2048xf32, #tpu.memory_space<vmem>>) dst(%dma_wait3A_95 : memref<2048xf32, #tpu.memory_space<hbm>>)
        tpu.yield
      }) : () -> ()
    } else {
    }
    return
  }
}

</mosaic_0001>

<sc_bundles>
// kernel: kernel.3.cloned.1.call-start
scs
__scs_entry_jumppad:
0x0: {  	(pc) =	sbr.rel $0x88, $3  }
0x1: {  	(tag) =	ssettag $0x0;
	lr =	simm.s32 $0x1  }
0x2: {  	[smem:$0x3FA0] =	sst lr;
	_ =	strace $0xD0000000  }
0x3: {  	_ = 	snop  }
0x4: {  	_ = 	snop  }
0x5: {  	_ = 	snop  }
0x6: {  	_ = 	snop  }
0x7: {  	_ = 	snop  }
__scs_overlays_trampoline_lowered:
0x8: {  	[smem:$0x3FAF] =	sst s0  }
0x9: {  	[smem:$0x3FB0] =	sst s1  }
0xa: {  	[smem:$0x3FB1] =	sst s2  }
0xb: {  	[smem:$0x3FB2] =	sst s3  }
0xc: {  	[smem:$0x3FB3] =	sst s4  }
0xd: {  	[smem:$0x3FB4] =	sst s5  }
0xe: {  	[smem:$0x3FB5] =	sst s6  }
0xf: {  	[smem:$0x3FB6] =	sst s7  }
0x10: {  	[smem:$0x3FB7] =	sst s8  }
0x11: {  	[smem:$0x3FB8] =	sst s9;
	s0 =	simm.s32 @!p0 $0x0  }
0x12: {  	s1 =	sld [smem:$0x3F9E];
	s0 =	simm.s32 @p0 $0x1  }
0x13: {  	[smem:$0x3FB9] =	sst s0;
	s0 =	simm.s32 @!p1 $0x0  }
0x14: {  	s2 =	sld [smem:$0x3F9D];
	s0 =	simm.s32 @p1 $0x1  }
0x15: {  	[smem:$0x3FBA] =	sst s0;
	s0 =	simm.s32 @!p2 $0x0  }
0x16: {  	s3 =	sld [smem:$0x3FDB];
	s0 =	simm.s32 @p2 $0x1  }
0x17: {  	s4 =	simm.s32 $0x1BF5;
	[smem:$0x3FBC] =	sst s0  }
0x18: {  	s0 =	sld [smem:$0x3F9F];
	_ =	swait.ge [sflag:s4], $0x0  }
0x19: {  	s7 =	sld [smem:$0x3FA0]  }
0x1a: {  	s8 =	sadd.s32 $0xFFFFE003, lr  }
0x1b: {  	s9 =	sadd.s32 $0xFFFFFEF7, lr;
	s5 =	simm.s32 $0xFFFFFFFF;
	p2 =	slt.u32 s8, $0xFFFFF086  }
0x1c: {  	p1 =	slt.u32 s9, $0xF7A;
	s5 =	simm.s32 @!p2 $0x0  }
0x1d: {  	s5 =	simm.s32 @p1 $0x1;
	p0 =	seq.s32 s7, s2  }
0x1e: {  	s7 =	smul.u32 @!p0 $0xF7A, s2;
	p2 =	seq.s32 @!p0 s5, $0x0  }
0x1f: {  	s9 =	smul.u32 $0xF7A, s1;
	s8 =	simm.s32 @!p0 $0x1BF5;
	p2 =	por !p2, p0  }
0x20: {  	[sflag:s8] =	ssyncset.s32 @!p0 $0xFFFFF086;
	s6 =	sadd.s32 @!p0 s3, s7;
	s7 =	simm.s32 @!p0 $0x108  }
0x21: {  	s3 =	sadd.s32 s3, s9;
	s6 =	sadd.s32 @!p0 $0x88, s6;
	s7 =	simm.s32 @p2 $0x1082  }
0x22: {  	[simem:s7], [sflag:s8] =	dma.local @!p0 [hbm:s6], $0xF7A  }
0x23: {  	s9 =	sor.u32 $0xD0000000, s2;
	s6 =	simm.s32 $0x108;
	_ =	swait.ge @!p0 [sflag:s8], $0x0  }
0x24: {  	s3 =	sadd.s32 $0x88, s3;
	s6 =	simm.s32 @!p1 $0x1082;
	[sflag:s4] =	ssyncset.s32 $0xFFFFF086  }
0x25: {  	[simem:s6], [sflag:s4] =	dma.local [hbm:s3], $0xF7A  }
0x26: {  	[smem:$0x3FA0] =	sst s1;
	(tag) =	ssettag s2;
	_ =	strace s9  }
0x27: {  	s1 =	sld [smem:$0x3FB0]  }
0x28: {  	s2 =	sld [smem:$0x3FB1]  }
0x29: {  	s4 =	sld [smem:$0x3FB3]  }
0x2a: {  	p0 =	seq.s32 s5, $0x0;
	s5 =	sld [smem:$0x3FB4]  }
0x2b: {  	s6 =	sld [smem:$0x3FB5]  }
0x2c: {  	s7 =	sld [smem:$0x3FB6]  }
0x2d: {  	s3 =	simm.s32 $0x108;
	s8 =	sld [smem:$0x3FB7]  }
0x2e: {  	s3 =	simm.s32 @!p0 $0x1082;
	s9 =	sld [smem:$0x3FB8]  }
0x2f: {  	lr =	sadd.s32 s0, s3;
	s0 =	sld [smem:$0x3FAF]  }
0x30: {  	s3 =	sld [smem:$0x3FB2]  }
0x31: {  	[smem:$0x3FBB] =	sst s10  }
0x32: {  	s10 =	sld [smem:$0x3FB9];
	_ =	sdelay $0x3  }
0x33: {  	p0 =	seq.s32 s10, $0x1;
	s10 =	sld [smem:$0x3FBB];
	_ =	sdelay $0x3  }
0x34: {  	[smem:$0x3FBB] =	sst s10  }
0x35: {  	s10 =	sld [smem:$0x3FBA];
	_ =	sdelay $0x3  }
0x36: {  	p1 =	seq.s32 s10, $0x1;
	s10 =	sld [smem:$0x3FBB];
	_ =	sdelay $0x3  }
0x37: {  	[smem:$0x3FBB] =	sst s10  }
0x38: {  	s10 =	sld [smem:$0x3FBC]  }
0x39: {  	_ = 	snop;
	(pc) =	sbr.ind lr, $3  }
0x3a: {  	_ = 	snop  }
0x3b: {  	_ = 	snop  }
0x3c: {  	p2 =	seq.s32 s10, $0x1;
	s10 =	sld [smem:$0x3FBB]  }
0x3d: {  	_ =	shalt  }
0x3e: {  	_ =	shalt  }
0x3f: {  	_ =	shalt  }
0x40: {  	_ =	shalt  }
0x41: {  	_ =	shalt  }
0x42: {  	_ =	shalt  }
0x43: {  	_ =	shalt  }
0x44: {  	_ =	shalt  }
0x45: {  	_ =	shalt  }
0x46: {  	_ =	shalt  }
0x47: {  	_ =	shalt  }
0x48: {  	_ =	shalt  }
0x49: {  	_ =	shalt  }
0x4a: {  	_ =	shalt  }
0x4b: {  	_ =	shalt  }
0x4c: {  	_ =	shalt  }
0x4d: {  	_ =	shalt  }
0x4e: {  	_ =	shalt  }
0x4f: {  	_ =	shalt  }
0x50: {  	_ =	shalt  }
0x51: {  	_ =	shalt  }
0x52: {  	_ =	shalt  }
0x53: {  	_ =	shalt  }
0x54: {  	_ =	shalt  }
0x55: {  	_ =	shalt  }
0x56: {  	_ =	shalt  }
0x57: {  	_ =	shalt  }
0x58: {  	_ =	shalt  }
0x59: {  	_ =	shalt  }
0x5a: {  	_ =	shalt  }
0x5b: {  	_ =	shalt  }
0x5c: {  	_ =	shalt  }
0x5d: {  	_ =	shalt  }
0x5e: {  	_ =	shalt  }
0x5f: {  	_ =	shalt  }
0x60: {  	_ =	shalt  }
0x61: {  	_ =	shalt  }
0x62: {  	_ =	shalt  }
0x63: {  	_ =	shalt  }
0x64: {  	_ =	shalt  }
0x65: {  	_ =	shalt  }
0x66: {  	_ =	shalt  }
0x67: {  	_ =	shalt  }
0x68: {  	_ =	shalt  }
0x69: {  	_ =	shalt  }
0x6a: {  	_ =	shalt  }
0x6b: {  	_ =	shalt  }
0x6c: {  	_ =	shalt  }
0x6d: {  	_ =	shalt  }
0x6e: {  	_ =	shalt  }
0x6f: {  	_ =	shalt  }
0x70: {  	_ =	shalt  }
0x71: {  	_ =	shalt  }
0x72: {  	_ =	shalt  }
0x73: {  	_ =	shalt  }
0x74: {  	_ =	shalt  }
0x75: {  	_ =	shalt  }
0x76: {  	_ =	shalt  }
0x77: {  	_ =	shalt  }
0x78: {  	_ =	shalt  }
0x79: {  	_ =	shalt  }
0x7a: {  	_ =	shalt  }
0x7b: {  	_ =	shalt  }
0x7c: {  	_ =	shalt  }
0x7d: {  	_ =	shalt  }
0x7e: {  	_ =	shalt  }
0x7f: {  	_ =	shalt  }
0x80: {  	_ =	shalt  }
0x81: {  	_ =	shalt  }
0x82: {  	_ =	shalt  }
0x83: {  	_ =	shalt  }
0x84: {  	_ =	shalt  }
0x85: {  	_ =	shalt  }
0x86: {  	_ =	shalt  }
0x87: {  	_ =	shalt  }
.Lfunc_end0:
.L_simem_size_0:
called_computation_lowered:
.L_overlay_start_0:
0x88: {  	s2 =	sld [smem:$0x3FD9]  }
0x89: {  	s3 =	sld [smem:$0x3FFE];
	_ =	sdelay $0x1  }
0x8a: {  	s1 =	srdreg.scid  }
0x8b: {  	s0 =	sand.u32 $0x1, s1  }
0x8c: {  	s17 =	sshll.u32 s0, $0xA;
	s2 =	sadd.s32 s3, s2  }
0x8d: {  	s2 =	sadd.s32 s2, s17  }
0x8e: {  	[smem:$0x3FC7] =	sst s2  }
0x8f: {  	_ = 	snop  }
0x90: {  	s2 =	sld [smem:$0x3FD0];
	(tm) =	ssettm $0x1  }
0x91: {  	s18 =	sld [smem:$0x3FFB];
	_ =	sdelay $0x3  }
0x92: {  	_ =	strace s18  }
0x93: {  	s3 =	sld [smem:$0x3FFC];
	_ =	sdelay $0x3  }
0x94: {  	_ =	strace s3  }
0x95: {  	s3 =	sld [smem:$0x3FFD];
	_ =	sdelay $0x3  }
0x96: {  	_ =	strace s3  }
0x97: {  	_ =	strace $0x8FFFFFFF  }
0x98: {  	s19 =	sld [smem:$0x3FDB];
	_ =	sdelay $0x1  }
0x99: {  	s4 =	simm.s32 $_scs_section_size  }
0x9a: {  	s5 =	simm.s32 $_size__tile_overlayer_lowered;
	s6 =	simm.s32 $_tile_overlayer_lowered  }
0x9b: {  	s22 =	simm.s32 $0x1BFF;
	s21 =	sshll.u32 s6, $0x1;
	s3 =	sadd.s32 s4, s19  }
0x9c: {  	s7 =	simm.s32 $0x0;
	s20 =	sshll.u32 s5, $0x1;
	s5 =	sadd.s32 s21, s3  }
0x9d: {  	[timem:s7], [sflag:s22] =	dma.local [hbm:s5], s20  }
0x9e: {  	_ =	swait.ge [sflag:s22], s20  }
0x9f: {  	s4 =	ssub.s32 $0x0, s20;
	[sflag:s22] =	ssyncset.done $0x0  }
0xa0: {  	[sflag:s22] =	ssyncadd.s32 s4;
	_ =	sdelay $0x1  }
0xa1: {  	s23 =	simm.s32 $0x1B8B  }
0xa2: {  	_ =	swait.ge [sflag:s23], $0x1  }
0xa3: {  	[sflag:s23] =	ssyncset.done $0x0  }
0xa4: {  	s25 =	simm.s32 $0x1B8E;
	s24 =	sld [smem:$0x3FFE];
	[sflag:s23] =	ssyncadd.s32 $0xFFFFFFFF  }
0xa5: {  	s26 =	simm.s32 $execute0_lowered;
	[smem:$0x3FD2] =	sst s25  }
0xa6: {  	s5 =	sshll.u32 s26, $0x1;
	_ =	strace $0x80000046;
	[dreg:$0x1] =	wrdreg $0xFFFFFFFF  }
0xa7: {  	s28 =	simm.s32 $_size_execute0_lowered;
	s3 =	sadd.s32 s3, s5;
	[dreg:$0x0] =	wrdreg $0x0  }
0xa8: {  	s5 =	sshll.u32 s28, $0x1;
	[dreg:$0x2] =	wrdreg s3  }
0xa9: {  	[dreg:$0x3] =	wrdreg s5  }
0xaa: {  	[dreg:$0x4] =	wrdreg $0xC0  }
0xab: {  	_ =	task [dreg:s7], $0x5FFFF  }
0xac: {  	[dreg:$0x1] =	wrdreg $0xFFFFFFFF  }
0xad: {  	[dreg:$0x0] =	wrdreg $0x60  }
0xae: {  	[dreg:$0x2] =	wrdreg s24  }
0xaf: {  	[dreg:$0x3] =	wrdreg s2  }
0xb0: {  	[dreg:$0x4] =	wrdreg $0x58500  }
0xb1: {  	[dreg:$0x5] =	wrdreg $0x9  }
0xb2: {  	_ =	task.clear_ibuf [dreg:s7], $0x6FFFF;
	_ =	strace $0x90000046  }
0xb3: {  	s29 =	simm.s32 $0x9;
	_ =	strace $0x80000048  }
0xb4: {  	_ =	swait.ge [sflag:s29], $0x1  }
0xb5: {  	[sflag:s29] =	ssyncadd.s32 $0xFFFFFFFF  }
0xb6: {  	_ =	strace $0x90000048  }
0xb7: {  	_ =	sfence  }
0xb8: {  	s30 =	sld [smem:$0x0];
	_ =	sdelay $0x2  }
0xb9: {  	s31 =	sshll.u32 s1, $0xD;
	s1 =	sshrl.u32 s1, $0x2  }
0xba: {  	s3 =	sand.u32 $0x4000, s31;
	s1 =	sadd.s32 s1, s30  }
0xbb: {  	s0 =	sor.u32 s3, s0;
	s1 =	sshll.u32 s1, $0x11  }
0xbc: {  	s0 =	sor.u32 s1, s0  }
0xbd: {  	s0 =	sadd.s32 $0x8F2B, s0  }
0xbe: {  	[sflag:s0] =	ssyncadd.remote.s32 $0x1  }
0xbf: {  	_ =	sfence.sel $0xFFFF  }
0xc0: {  	[dreg:$0x0] =	wrdreg $0xFFFFFFFF;
	(pc) =	sbr.abs _section_cstart, $3  }
0xc1: {  	[dreg:$0x1] =	wrdreg $0xFFFFFFFF  }
0xc2: {  	_ =	task.clear_ibuf [dreg:s7], $0x2FFFF;
	_ =	strace $0x9FFFFFFF  }
0xc3: {  	(tm) =	ssettm $0x7FFFFFFF  }
tec
execute0_lowered:
.L_overlay_start_1:
0x0: {  	(tag) =	ssettag $0x1  }
0x1: {  	s0 =	rddreg [dreg:$0x0]  }
0x2: {  	s10 =	rddreg [dreg:$0x1]  }
0x3: {  	s1 =	rddreg [dreg:$0x2];
	s3 =	simm.s32 $0x0  }
0x4: {  	s4 =	srdreg.scid;
	s2 =	stileid.u32;
	s15 =	simm.s32 $0x1000  }
0x5: {  	s16 =	simm.s32 $0x2000;
	s17 =	simm.s32 $0x5800;
	s19 =	simm.s32 $0x4000  }
0x6: {  	s20 =	simm.s32 $0x4800;
	s21 =	simm.s32 $0x5000;
	s23 =	simm.s32 $0x5810  }
0x7: {  	[smem:$0x7FF] =	sst s3;
	s4 =	sand.u32 $0x1, s4;
	s7 =	sadd.s32 $0x8A00, s0  }
0x8: {  	s11 =	sshrl.u32 s2, $0x2;
	s8 =	sadd.s32 $0x4A00, s0;
	s9 =	sadd.s32 $0xA00, s0  }
0x9: {  	s24 =	sand.u32 $0x3, s2;
	s18 =	sshll.u32 s2, $0x6;
	_ =	strace $0x80000047  }
0xa: {  	s5 =	sshll.u32 s4, $0x2;
	s4 =	ssub.s32 $0x2, s4;
	s25 =	sshll.u32 s24, $0x9  }
0xb: {  	s22 =	sshll.u32 s11, $0x8;
	s18 =	sshrl.u32 s18, $0x2;
	p0 =	sne.s32 s24, $0x0  }
0xc: {  	s24 =	simm.s32 $0x0;
	s5 =	sor.u32 s11, s5;
	s6 =	sshrl.u32 s4, $0x1  }
0xd: {  	s22 =	sshrl.u32 s22, $0x2;
	s12 =	sshll.u32 s5, $0x8;
	s13 =	sshll.u32 s5, $0xB  }
0xe: {  	s14 =	ssub.s32 s4, s6;
	s0 =	sadd.s32 s12, s0;
	s26 =	sor.u32 s25, s13  }
0xf: {  	s31 =	sadd.s32 s7, s13;
	s10 =	sadd.s32 s10, s12;
	s28 =	sadd.s32 s7, s26  }
0x10: {  	s29 =	sadd.s32 s8, s26;
	s30 =	sadd.s32 s9, s26;
	[dreg:$0x7] =	wrdreg s31  }
0x11: {  	s8 =	sadd.s32 s8, s13;
	s9 =	sadd.s32 s9, s13;
	[dreg:$0x4] =	wrdreg s28  }
0x12: {  	v0 =	vimm.f32 $1.000000000e+10;
	v1 =	vlaneseq.u32;
	s11 =	sadd.s32 $0xCA00, s0;
	s12 =	sadd.s32 $0xD200, s0;
	[dreg:$0x5] =	wrdreg s29  }
0x13: {  	vm0 =	vmmov $0x1;
	vm1 =	vcmask $0x30C;
	vm2 =	vcmask $0x70C;
	s13 =	smax.u32 s14, $0x1;
	s14 =	simm.s32 $0x1;
	[dreg:$0x6] =	wrdreg s30  }
.LBB2_1:
0x14: {  	s0 =	rddreg [dreg:$0x4]  }
0x15: {  	[tilespmem:s3], [sflag:$0x1] =	stream.linear.gather [hbm4b:s0+s3], $0x1000, $0x38;
	[tilespmem:$0x5870] =	vst v63  }
0x16: {  	_ =	swait.ge [sflag:s14], $0x1000  }
0x17: {  	[sflag:s14] =	ssyncset.done $0x0  }
0x18: {  	s30 =	rddreg [dreg:$0x5];
	[sflag:s14] =	ssyncadd.s32 $0xFFFFF000  }
0x19: {  	[tilespmem:s15], [sflag:$0x1] =	stream.linear.gather [hbm4b:s30+s3], $0x1000, $0x38;
	[tilespmem:$0x5870] =	vst v63  }
0x1a: {  	_ =	swait.ge [sflag:s14], $0x1000  }
0x1b: {  	[sflag:s14] =	ssyncset.done $0x0  }
0x1c: {  	s31 =	rddreg [dreg:$0x6];
	[sflag:s14] =	ssyncadd.s32 $0xFFFFF000  }
0x1d: {  	[tilespmem:s16], [sflag:$0x1] =	stream.linear.gather [hbm4b:s31+s3], $0x1000, $0x38;
	[tilespmem:$0x5870] =	vst v63  }
0x1e: {  	_ =	swait.ge [sflag:s14], $0x1000  }
0x1f: {  	[sflag:s14] =	ssyncset.done $0x0  }
0x20: {  	s0 =	simm.s32 $0x3040;
	[sflag:s14] =	ssyncadd.s32 $0xFFFFF000  }
0x21: {  	[tilespmem:s0+$0xFFFFFFC0] =	vst v0  }
0x22: {  	[tilespmem:s0+$0x30] =	vst v0  }
0x23: {  	[tilespmem:s0+$0x20] =	vst v0  }
0x24: {  	[tilespmem:s0+$0x10] =	vst v0  }
0x25: {  	[tilespmem:s0+$0x0] =	vst v0  }
0x26: {  	[tilespmem:s0+$0xFFFFFFF0] =	vst v0  }
0x27: {  	s25 =	simm.s32 $0x0;
	[tilespmem:s0+$0xFFFFFFE0] =	vst v0  }
.LBB2_2:
0x28: {  	s25 =	sadd.s32 $0x8, s25;
	[tilespmem:s0+$0xFFFFFFD0] =	vst v0;
	s0 =	sadd.s32 $0x80, s0  }
0x29: {  	[tilespmem:s0+$0xFFFFFFC0] =	vst v0;
	p1 =	slt.u32 s25, $0xF8  }
0x2a: {  	[tilespmem:s0+$0x30] =	vst v0  }
.Ltmp0:
0x2b: {  	[tilespmem:s0+$0x20] =	vst v0;
	(pc) =	sbr.rel @p1 .LBB2_2-.Ltmp0, $4  }
0x2c: {  	[tilespmem:s0+$0x10] =	vst v0  }
0x2d: {  	[tilespmem:s0+$0x0] =	vst v0  }
0x2e: {  	[tilespmem:s0+$0xFFFFFFF0] =	vst v0  }
0x2f: {  	[tilespmem:s0+$0xFFFFFFE0] =	vst v0  }
0x30: {  	[tilespmem:s0+$0xFFFFFFD0] =	vst v0;
	s25 =	simm.s32 $0x0;
	s31 =	rddreg [dreg:$0x7]  }
0x31: {  	[tilespmem:s17], [sflag:$0x1] =	stream.linear.gather [hbm4b:s31+s25], $0x10, $0x38;
	[tilespmem:$0x5870] =	vst v63  }
0x32: {  	_ =	swait.ge [sflag:s14], $0x10  }
0x33: {  	[sflag:s14] =	ssyncset.done $0x0  }
0x34: {  	[sflag:s14] =	ssyncadd.s32 $0xFFFFFFF0  }
0x35: {  	v2 =	vld [tilespmem:$0x5800];
	_ =	sdelay $0x4  }
0x36: {  	(v2sf) =	vpush v2, $0x0;
	_ =	sdelay $0xd  }
0x37: {  	[tilespmem:s17], [sflag:$0x1] =	stream.linear.gather [hbm4b:s8+s25], $0x10, $0x38;
	[tilespmem:$0x5870] =	vst v63  }
0x38: {  	s0 =	spop (v2sf)  }
0x39: {  	_ =	swait.ge [sflag:s14], $0x10  }
0x3a: {  	[sflag:s14] =	ssyncset.done $0x0  }
0x3b: {  	[sflag:s14] =	ssyncadd.s32 $0xFFFFFFF0  }
0x3c: {  	v2 =	vld [tilespmem:$0x5800];
	_ =	sdelay $0x4  }
0x3d: {  	(v2sf) =	vpush v2, $0x0;
	_ =	sdelay $0xd  }
0x3e: {  	[tilespmem:s17], [sflag:$0x1] =	stream.linear.gather [hbm4b:s9+s25], $0x10, $0x38;
	[tilespmem:$0x5870] =	vst v63  }
0x3f: {  	s29 =	spop (v2sf)  }
0x40: {  	_ =	swait.ge [sflag:s14], $0x10  }
0x41: {  	[sflag:s14] =	ssyncset.done $0x0  }
0x42: {  	[sflag:s14] =	ssyncadd.s32 $0xFFFFFFF0  }
0x43: {  	v2 =	vld [tilespmem:$0x5800];
	_ =	sdelay $0x4  }
0x44: {  	(v2sf) =	vpush v2, $0x0;
	_ =	sdelay $0xe  }
0x45: {  	s30 =	spop (v2sf)  }
.LBB2_4:
0x46: {  	s31 =	simm.s32 $0x2040  }
0x47: {  	v5 =	vld [tilespmem:s31+$0x30]  }
0x48: {  	s26 =	simm.s32 $0x40;
	v6 =	vld [tilespmem:s31+$0x20]  }
0x49: {  	s28 =	simm.s32 $0x1040;
	v7 =	vld [tilespmem:s26+$0x30]  }
0x4a: {  	v8 =	vld [tilespmem:s28+$0x30]  }
0x4b: {  	v9 =	vld [tilespmem:s31+$0x10]  }
0x4c: {  	v10 =	vld [tilespmem:s26+$0x20]  }
0x4d: {  	v11 =	vld [tilespmem:s28+$0x20]  }
0x4e: {  	v12 =	vld [tilespmem:s31+$0x0]  }
0x4f: {  	v13 =	vld [tilespmem:s26+$0x10]  }
0x50: {  	v14 =	vld [tilespmem:s28+$0x10]  }
0x51: {  	v15 =	vld [tilespmem:s31+$0xFFFFFFF0]  }
0x52: {  	v2 =	vmov s30;
	v16 =	vld [tilespmem:s26+$0x0]  }
0x53: {  	v3 =	vmov s0;
	v17 =	vld [tilespmem:s28+$0x0];
	v18 =	vsub.f32 v6, v2;
	v19 =	vsub.f32 v5, v2  }
0x54: {  	v4 =	vmov s29;
	v20 =	vld [tilespmem:s31+$0xFFFFFFE0];
	v21 =	vsub.f32 v7, v3;
	v23 =	vsub.f32 v9, v2  }
0x55: {  	v24 =	vimm.f32 $-1.000000000e+00;
	v22 =	vld [tilespmem:s26+$0xFFFFFFF0];
	v25 =	vsub.f32 v8, v4;
	v27 =	vsub.f32 v10, v3  }
0x56: {  	v26 =	vimm.s32 $0x0;
	s7 =	simm.s32 $0x0;
	v33 =	vld [tilespmem:s26+$0xFFFFFFC0];
	v28 =	vsub.f32 v11, v4;
	v29 =	vsub.f32 v12, v2  }
0x57: {  	s5 =	simm.s32 $0x40;
	v36 =	vld [tilespmem:s28+$0xFFFFFFC0];
	v37 =	vor.u32 s7, v1;
	v13 =	vsub.f32 v13, v3;
	v31 =	vsub.f32 v15, v2  }
0x58: {  	s29 =	simm.s32 $0x30;
	v30 =	vld [tilespmem:s31+$0xFFFFFFC0];
	v5 =	vor.u32 s5, v1;
	v32 =	vsub.f32 v14, v4;
	v34 =	vsub.f32 v16, v3  }
0x59: {  	v8 =	vld [tilespmem:s31+$0xFFFFFFD0];
	v6 =	vor.u32 s29, v1;
	v35 =	vsub.f32 v17, v4;
	v38 =	vsub.f32 v20, v2  }
0x5a: {  	v11 =	vld [tilespmem:s26+$0xFFFFFFE0];
	v39 =	vsub.f32 v22, v3;
	v10 =	vmul.f32 v18, v18;
	v12 =	vmul.f32 v25, v25  }
0x5b: {  	v22 =	vld [tilespmem:s26+$0xFFFFFFD0];
	v14 =	vmul.f32 v23, v23;
	v15 =	vmul.f32 v27, v27;
	v23 =	vsub.f32 v33, v3  }
0x5c: {  	v18 =	vld [tilespmem:s28+$0xFFFFFFD0];
	v17 =	vmul.f32 v29, v29;
	v16 =	vmul.f32 v28, v28;
	v27 =	vsub.f32 v36, v4  }
0x5d: {  	s29 =	simm.s32 $0x10;
	v25 =	vsub.f32 v30, v2;
	v30 =	vld [tilespmem:s28+$0xFFFFFFE0];
	v20 =	vmul.f32 v32, v32;
	v62 =	vmul.f32 v39, v39  }
0x5e: {  	v9 =	vor.u32 s29, v1;
	v23 =	vmul.f32 v23, v23;
	v27 =	vmul.f32 v27, v27  }
0x5f: {  	v28 =	vld [tilespmem:s28+$0xFFFFFFF0];
	v25 =	vmul.f32 v25, v25;
	v40 =	vsub.f32 v8, v2;
	v8 =	vmul.f32 v19, v19  }
0x60: {  	s29 =	simm.s32 $0x3040;
	v41 =	vsub.f32 v11, v3;
	v19 =	vmul.f32 v13, v13;
	v13 =	vsub.f32 v22, v3  }
0x61: {  	v29 =	vld [tilespmem:s29+$0xFFFFFFC0];
	v11 =	vmul.f32 v21, v21;
	v21 =	vmul.f32 v31, v31;
	v18 =	vsub.f32 v18, v4  }
0x62: {  	s6 =	simm.s32 $0x20;
	v23 =	vadd.f32 v27, v23;
	v30 =	vsub.f32 v30, v4;
	v27 =	vmul.f32 v13, v13  }
0x63: {  	v7 =	vor.u32 s6, v1;
	v59 =	vld [tilespmem:s29+$0xFFFFFFD0];
	v60 =	vmul.f32 v41, v41;
	v18 =	vmul.f32 v18, v18  }
0x64: {  	v13 =	vld [tilespmem:s29+$0x30];
	v28 =	vsub.f32 v28, v4;
	v23 =	vadd.f32 v25, v23;
	v30 =	vmul.f32 v30, v30  }
0x65: {  	v31 =	vmul.f32 v38, v38;
	v61 =	vmul.f32 v40, v40;
	v25 =	vld [tilespmem:s29+$0xFFFFFFE0];
	v27 =	vadd.f32 v18, v27  }
0x66: {  	v28 =	vmul.f32 v28, v28;
	v63 =	vmin.f32 v29, v23;
	v23 =	vld [tilespmem:s29+$0x10];
	v30 =	vadd.f32 v30, v60  }
0x67: {  	v22 =	vmul.f32 v34, v34;
	v29 =	vmul.f32 v35, v35;
	v18 =	vld [tilespmem:s29+$0x20];
	v34 =	vadd.f32 v61, v27  }
0x68: {  	vm3 =	vgt.f32 v63, v24;
	v30 =	vadd.f32 v31, v30;
	v31 =	vadd.f32 v28, v62;
	v27 =	vld [tilespmem:s29+$0xFFFFFFF0]  }
0x69: {  	s30 =	simm.s32 $0x70;
	s0 =	simm.s32 $0x20C0;
	s31 =	simm.s32 $0x0;
	[tilespmem:s29+$0xFFFFFFC0] =	vst v63;
	v32 =	vsel vm3, v63, v24;
	v28 =	vsel vm3, v37, v26;
	v26 =	vld [tilespmem:s29+$0x0];
	v24 =	vmin.f32 v59, v34  }
.LBB2_5:
0x6a: {  	v33 =	vld [tilespmem:s0+$0x30];
	[tilespmem:s29+$0xFFFFFFD0] =	vst v24;
	vm3 =	vgt.f32 v24, v32;
	v21 =	vadd.f32 v21, v31;
	v22 =	vadd.f32 v29, v22  }
0x6b: {  	s26 =	sadd.s32 $0x80, s26;
	v29 =	vld [tilespmem:s0+$0x20];
	v24 =	vsel vm3, v24, v32;
	v9 =	vsel vm3, v9, v28;
	v25 =	vmin.f32 v25, v30  }
0x6c: {  	v19 =	vadd.f32 v20, v19;
	s28 =	sadd.s32 $0x80, s28;
	v28 =	vld [tilespmem:s26+$0x30];
	[tilespmem:s29+$0xFFFFFFE0] =	vst v25;
	vm3 =	vgt.f32 v25, v24;
	v17 =	vadd.f32 v17, v22  }
0x6d: {  	v20 =	vld [tilespmem:s28+$0x30];
	v22 =	vsel vm3, v25, v24;
	v7 =	vsel vm3, v7, v9;
	v9 =	vmin.f32 v27, v21  }
0x6e: {  	v15 =	vadd.f32 v16, v15;
	v14 =	vadd.f32 v14, v19;
	v21 =	vld [tilespmem:s0+$0x10];
	[tilespmem:s29+$0xFFFFFFF0] =	vst v9;
	vm3 =	vgt.f32 v9, v22  }
0x6f: {  	v16 =	vld [tilespmem:s26+$0x20];
	v9 =	vsel vm3, v9, v22;
	v6 =	vsel vm3, v6, v7;
	v7 =	vmin.f32 v26, v17  }
0x70: {  	v11 =	vadd.f32 v12, v11;
	v10 =	vadd.f32 v10, v15;
	v17 =	vld [tilespmem:s28+$0x20];
	[tilespmem:s29+$0x0] =	vst v7;
	vm3 =	vgt.f32 v7, v9  }
0x71: {  	s2 =	sadd.s32 $0xFFFFFFE0, s30;
	v12 =	vld [tilespmem:s0+$0x0];
	v7 =	vsel vm3, v7, v9;
	v5 =	vsel vm3, v5, v6;
	v6 =	vmin.f32 v23, v14  }
0x72: {  	v8 =	vadd.f32 v8, v11;
	v14 =	vor.u32 s2, v1;
	v9 =	vld [tilespmem:s26+$0x10];
	[tilespmem:s29+$0x10] =	vst v6;
	vm3 =	vgt.f32 v6, v7  }
0x73: {  	s2 =	sadd.s32 $0xFFFFFFF0, s30;
	v11 =	vld [tilespmem:s28+$0x10];
	v6 =	vsel vm3, v6, v7;
	v5 =	vsel vm3, v14, v5;
	v7 =	vmin.f32 v18, v10  }
0x74: {  	v15 =	vor.u32 s30, v1;
	v14 =	vor.u32 s2, v1;
	v10 =	vld [tilespmem:s0+$0xFFFFFFF0];
	[tilespmem:s29+$0x20] =	vst v7;
	vm3 =	vgt.f32 v7, v6  }
0x75: {  	v18 =	vld [tilespmem:s26+$0x0];
	v6 =	vsel vm3, v7, v6;
	v5 =	vsel vm3, v14, v5;
	v7 =	vmin.f32 v13, v8  }
0x76: {  	v13 =	vsub.f32 v29, v2;
	v14 =	vsub.f32 v33, v2;
	v8 =	vld [tilespmem:s28+$0x0];
	[tilespmem:s29+$0x30] =	vst v7;
	vm3 =	vgt.f32 v7, v6  }
0x77: {  	v22 =	vsub.f32 v28, v3;
	s30 =	sadd.s32 $0x80, s30;
	v19 =	vld [tilespmem:s0+$0xFFFFFFE0];
	v24 =	vsel vm3, v7, v6;
	v26 =	vsel vm3, v15, v5  }
0x78: {  	v20 =	vsub.f32 v20, v4;
	s2 =	sadd.s32 $0xFFFFFFD0, s30;
	v21 =	vsub.f32 v21, v2;
	v15 =	vld [tilespmem:s26+$0xFFFFFFF0]  }
0x79: {  	s4 =	sadd.s32 $0xFFFFFFC0, s30;
	v16 =	vsub.f32 v16, v3;
	v25 =	vsub.f32 v17, v4;
	v5 =	vor.u32 s2, v1;
	v23 =	vld [tilespmem:s0+$0xFFFFFFD0]  }
0x7a: {  	v27 =	vsub.f32 v12, v2;
	s2 =	sadd.s32 $0xFFFFFFB0, s30;
	v6 =	vor.u32 s4, v1;
	v28 =	vsub.f32 v9, v3;
	v17 =	vld [tilespmem:s26+$0xFFFFFFE0]  }
0x7b: {  	s4 =	sadd.s32 $0xFFFFFFA0, s30;
	v7 =	vor.u32 s2, v1;
	v31 =	vsub.f32 v11, v4;
	v30 =	vsub.f32 v10, v2;
	v29 =	vld [tilespmem:s0+$0xFFFFFFC0]  }
0x7c: {  	s2 =	sadd.s32 $0xFFFFFF90, s30;
	v9 =	vor.u32 s4, v1;
	v18 =	vsub.f32 v18, v3;
	v33 =	vsub.f32 v8, v4;
	v32 =	vld [tilespmem:s26+$0xFFFFFFC0]  }
0x7d: {  	s31 =	sadd.s32 $0x8, s31;
	v35 =	vor.u32 s2, v1;
	v36 =	vsub.f32 v19, v2;
	v34 =	vld [tilespmem:s28+$0xFFFFFFC0];
	v37 =	vsub.f32 v15, v3  }
0x7e: {  	p1 =	slt.u32 s31, $0xF8;
	v10 =	vmul.f32 v13, v13;
	v8 =	vmul.f32 v14, v14;
	v38 =	vld [tilespmem:s26+$0xFFFFFFD0];
	v23 =	vsub.f32 v23, v2  }
0x7f: {  	v12 =	vmul.f32 v20, v20;
	v11 =	vmul.f32 v22, v22;
	v13 =	vld [tilespmem:s28+$0xFFFFFFD0];
	v39 =	vsub.f32 v17, v3  }
0x80: {  	v14 =	vmul.f32 v21, v21;
	v15 =	vmul.f32 v16, v16;
	v29 =	vsub.f32 v29, v2;
	v40 =	vld [tilespmem:s28+$0xFFFFFFE0]  }
0x81: {  	v16 =	vmul.f32 v25, v25;
	v17 =	vmul.f32 v27, v27;
	v32 =	vsub.f32 v32, v3  }
0x82: {  	v20 =	vmul.f32 v31, v31;
	v19 =	vmul.f32 v28, v28;
	v25 =	vsub.f32 v34, v4;
	v27 =	vld [tilespmem:s28+$0xFFFFFFF0]  }
0x83: {  	v21 =	vmul.f32 v30, v30;
	v22 =	vmul.f32 v18, v18;
	v28 =	vsub.f32 v38, v3  }
0x84: {  	s29 =	sadd.s32 $0x80, s29;
	v18 =	vmul.f32 v32, v32;
	v25 =	vmul.f32 v25, v25;
	v13 =	vsub.f32 v13, v4  }
0x85: {  	v29 =	vmul.f32 v29, v29;
	v32 =	vmul.f32 v36, v36;
	v30 =	vld [tilespmem:s29+$0xFFFFFFC0];
	v31 =	vsub.f32 v40, v4  }
0x86: {  	v18 =	vadd.f32 v25, v18;
	v25 =	vmul.f32 v28, v28;
	v28 =	vmul.f32 v13, v13;
	v13 =	vld [tilespmem:s29+$0x30]  }
0x87: {  	v36 =	vmul.f32 v39, v39;
	v34 =	vld [tilespmem:s29+$0xFFFFFFD0];
	v31 =	vmul.f32 v31, v31;
	v27 =	vsub.f32 v27, v4  }
.Ltmp1:
0x88: {  	v23 =	vmul.f32 v23, v23;
	v29 =	vadd.f32 v29, v18;
	v28 =	vadd.f32 v28, v25;
	v18 =	vld [tilespmem:s29+$0x20];
	(pc) =	sbr.rel @p1 .LBB2_5-.Ltmp1, $4  }
0x89: {  	v31 =	vadd.f32 v31, v36;
	v25 =	vld [tilespmem:s29+$0xFFFFFFE0];
	v36 =	vmul.f32 v37, v37;
	v27 =	vmul.f32 v27, v27  }
0x8a: {  	v37 =	vmin.f32 v30, v29;
	v38 =	vadd.f32 v23, v28;
	v29 =	vmul.f32 v33, v33;
	v23 =	vld [tilespmem:s29+$0x10]  }
0x8b: {  	[tilespmem:s29+$0xFFFFFFC0] =	vst v37;
	vm3 =	vgt.f32 v37, v24;
	v30 =	vadd.f32 v32, v31;
	v31 =	vadd.f32 v27, v36;
	v27 =	vld [tilespmem:s29+$0xFFFFFFF0]  }
0x8c: {  	s0 =	sadd.s32 $0x80, s0;
	v32 =	vsel vm3, v37, v24;
	v28 =	vsel vm3, v35, v26;
	v24 =	vmin.f32 v34, v38;
	v26 =	vld [tilespmem:s29+$0x0]  }
0x8d: {  	vm3 =	vgt.f32 v24, v32;
	v22 =	vadd.f32 v29, v22  }
0x8e: {  	v21 =	vadd.f32 v21, v31;
	v52 =	vsel vm3, v24, v32;
	v25 =	vmin.f32 v25, v30  }
0x8f: {  	v19 =	vadd.f32 v20, v19;
	vm4 =	vgt.f32 v25, v52  }
0x90: {  	v17 =	vadd.f32 v17, v22;
	v53 =	vsel vm4, v25, v52;
	v21 =	vmin.f32 v27, v21  }
0x91: {  	v15 =	vadd.f32 v16, v15;
	vm5 =	vgt.f32 v21, v53  }
0x92: {  	v14 =	vadd.f32 v14, v19;
	v17 =	vmin.f32 v26, v17;
	v54 =	vsel vm5, v21, v53  }
0x93: {  	v11 =	vadd.f32 v12, v11;
	vm6 =	vgt.f32 v17, v54  }
0x94: {  	v10 =	vadd.f32 v10, v15;
	v14 =	vmin.f32 v23, v14;
	v55 =	vsel vm6, v17, v54  }
0x95: {  	vm7 =	vgt.f32 v14, v55  }
0x96: {  	v8 =	vadd.f32 v8, v11;
	v10 =	vmin.f32 v18, v10;
	v56 =	vsel vm7, v14, v55  }
0x97: {  	vm8 =	vgt.f32 v10, v56  }
0x98: {  	v8 =	vmin.f32 v13, v8;
	v11 =	vsel vm8, v10, v56  }
0x99: {  	vm9 =	vgt.f32 v8, v11  }
0x9a: {  	v11 =	vsel vm9, v8, v11  }
0x9b: {  	(xrf0) =	vmax.scan.msk.f32 $0xffff, v11;
	_ =	sdelay $0x1  }
0x9c: {  	v9 =	vsel vm3, v9, v28  }
0x9d: {  	v7 =	vsel vm4, v7, v9  }
0x9e: {  	s0 =	sadd.s32 $0xFFFFFFE0, s30;
	v6 =	vsel vm5, v6, v7  }
0x9f: {  	s26 =	sadd.s32 $0xFFFFFFF0, s30;
	v57 =	vor.u32 s0, v1;
	v5 =	vsel vm6, v5, v6  }
0xa0: {  	v58 =	vor.u32 s26, v1;
	v5 =	vsel vm7, v57, v5;
	v59, _, _ =	vpop (xrf0)  }
0xa1: {  	v60 =	vor.u32 s30, v1;
	v5 =	vsel vm8, v58, v5;
	v7 =	vbroadcast v59, $0xF  }
0xa2: {  	v5 =	vsel vm9, v60, v5  }
0xa3: {  	v5 =	vxor.u32 $0x80000000, v5;
	vm3 =	veq.f32 v11, v7  }
0xa4: {  	v5 =	vnsel vm3, $0x80001000, v5  }
0xa5: {  	(xrf0) =	vmin.scan.msk.u32 $0xffff, v5;
	_ =	sdelay $0x5  }
0xa6: {  	v5, _, _ =	vpop (xrf0)  }
0xa7: {  	(v2sf) =	vpush v5, $0xF;
	_ =	sdelay $0xe  }
0xa8: {  	[tilespmem:s29+$0xFFFFFFD0] =	vst v24;
	s28 =	spop (v2sf)  }
0xa9: {  	[tilespmem:s29+$0xFFFFFFE0] =	vst v25;
	s0 =	sxor.u32 $0x80000000, s28  }
0xaa: {  	[tilespmem:s29+$0xFFFFFFF0] =	vst v21;
	v61 =	vmov s0  }
0xab: {  	[tilespmem:s29+$0x0] =	vst v17  }
0xac: {  	[tilespmem:s29+$0x10] =	vst v14  }
0xad: {  	[tilespmem:s29+$0x20] =	vst v10  }
0xae: {  	[tilespmem:s29+$0x30] =	vst v8  }
0xaf: {  	v62 =	vld.idx.msk [tilespmem:v61+s16+$0x0], $0xffff  }
0xb0: {  	v8 =	vld.idx.msk [tilespmem:v61+s3+$0x0], $0xffff  }
0xb1: {  	v5 =	vld.idx.msk [tilespmem:v61+s15+$0x0], $0xffff;
	_ =	sdelay $0x2  }
0xb2: {  	v6 =	vbroadcast v62, $0x0  }
0xb3: {  	v8 =	vbroadcast v8, $0x0  }
0xb4: {  	s31 =	sshll.u32 s25, $0x8;
	v5 =	vbroadcast v5, $0x0;
	v6 =	vsel vm0, v7, v6  }
0xb5: {  	s0 =	sand.u32 $0x100, s31;
	v6 =	vsel vm1, v6, v8  }
0xb6: {  	s0 =	sadd.s32 s0, s1;
	v5 =	vsel vm2, v6, v5  }
0xb7: {  	v63 =	vmov s25;
	s2 =	sadd.s32 s18, s0;
	[tilespmem:$0x5800] =	vst v5  }
0xb8: {  	[spmem:s2] =	stream.linear.scatter [tilespmem:s17], [sflag:$0x1], $0x10, $0x38;
	[tilespmem:$0x5870] =	vst v63  }
0xb9: {  	_ =	swait.ge [sflag:s14], $0x10  }
0xba: {  	[sflag:s14] =	ssyncset.done $0x0  }
0xbb: {  	[sflag:s14] =	ssyncadd.s32 $0xFFFFFFF0  }
0xbc: {  	[tilespmem:v63+s19+$0x0] =	vst.idx.msk $0x1, v3  }
0xbd: {  	[tilespmem:v63+s20+$0x0] =	vst.idx.msk $0x1, v4  }
0xbe: {  	[tilespmem:v63+s21+$0x0] =	vst.idx.msk $0x1, v2  }
0xbf: {  	s0 =	sadd.s32 s22, s0;
	[bflag:$0x0] =	sbarrier.arrive $0xFFFF  }
0xc0: {  	[tilespmem:s23], [sflag:$0x1] =	stream.linear.gather [spmem:s0], $0x40, $0x38;
	[tilespmem:$0x5870] =	vst v63  }
0xc1: {  	_ =	swait.ge [sflag:s14], $0x40  }
0xc2: {  	[sflag:s14] =	ssyncset.done $0x0  }
0xc3: {  	[sflag:s14] =	ssyncadd.s32 $0xFFFFFFC0  }
0xc4: {  	v2 =	vld [tilespmem:$0x5810];
	_ =	sdelay $0x4  }
0xc5: {  	(v2sf) =	vpush v2, $0x0  }
0xc6: {  	v3 =	vld [tilespmem:$0x5820];
	(v2sf) =	vpush v2, $0x1  }
0xc7: {  	(v2sf) =	vpush v2, $0x2;
	_ =	sdelay $0x2  }
0xc8: {  	(v2sf) =	vpush v2, $0x3;
	v2 =	vld [tilespmem:$0x5830]  }
0xc9: {  	(v2sf) =	vpush v3, $0x0  }
0xca: {  	(v2sf) =	vpush v3, $0x1  }
0xcb: {  	(v2sf) =	vpush v3, $0x2  }
0xcc: {  	(v2sf) =	vpush v3, $0x3;
	v3 =	vld [tilespmem:$0x5840]  }
0xcd: {  	(v2sf) =	vpush v2, $0x0  }
0xce: {  	(v2sf) =	vpush v2, $0x1  }
0xcf: {  	(v2sf) =	vpush v2, $0x2  }
0xd0: {  	(v2sf) =	vpush v2, $0x3  }
0xd1: {  	(v2sf) =	vpush v3, $0x0  }
0xd2: {  	s2 =	spop (v2sf);
	(v2sf) =	vpush v3, $0x1  }
0xd3: {  	s0 =	spop (v2sf);
	(v2sf) =	vpush v3, $0x2  }
0xd4: {  	s29 =	spop (v2sf);
	(v2sf) =	vpush v3, $0x3;
	_ =	sdelay $0x2  }
0xd5: {  	s30 =	spop (v2sf)  }
0xd6: {  	s4 =	spop (v2sf)  }
0xd7: {  	s26 =	spop (v2sf)  }
0xd8: {  	s28 =	spop (v2sf)  }
0xd9: {  	p1 =	sgt.f32 s4, s2;
	s31 =	spop (v2sf)  }
0xda: {  	s25 =	sadd.s32 $0x1, s25;
	s5 =	spop (v2sf)  }
0xdb: {  	s2 =	smov.u32 @p1 s4;
	s0 =	smov.u32 @p1 s26;
	s6 =	spop (v2sf)  }
0xdc: {  	s29 =	smov.u32 @p1 s28;
	p2 =	sgt.f32 s5, s2;
	s4 =	spop (v2sf)  }
0xdd: {  	s30 =	smov.u32 @p1 s31;
	p1 =	sne.s32 s25, $0x800;
	s7 =	spop (v2sf)  }
.Ltmp2:
0xde: {  	s2 =	smov.u32 @p2 s5;
	s5 =	spop (v2sf);
	(pc) =	sbr.rel @p1 .LBB2_4-.Ltmp2, $4  }
0xdf: {  	p3 =	sgt.f32 s5, s2;
	s2 =	spop (v2sf)  }
0xe0: {  	s0 =	smov.u32 @p2 s6;
	s29 =	smov.u32 @p2 s4;
	s4 =	spop (v2sf)  }
0xe1: {  	s30 =	smov.u32 @p2 s7;
	s0 =	smov.u32 @p3 s2;
	s2 =	spop (v2sf)  }
0xe2: {  	s29 =	smov.u32 @p3 s4;
	s30 =	smov.u32 @p3 s2  }
0xe3: {  	s0 =	simm.s32 @!p0 $0x0;
	s2 =	simm.s32 @!p0 $0x4000  }
0xe4: {  	[hbm4b:s10+s0] =	stream.linear.scatter @!p0 [tilespmem:s2], [sflag:$0x1], $0x800, $0x38;
	[tilespmem:$0x5870] =	vst v63  }
0xe5: {  	s2 =	simm.s32 @!p0 $0x1  }
0xe6: {  	_ =	swait.ge @!p0 [sflag:s2], $0x800  }
0xe7: {  	[sflag:s2] =	ssyncset.done @!p0 $0x0  }
0xe8: {  	s4 =	simm.s32 @!p0 $0x4800;
	[sflag:s2] =	ssyncadd.s32 @!p0 $0xFFFFF800  }
0xe9: {  	[hbm4b:s11+s0] =	stream.linear.scatter @!p0 [tilespmem:s4], [sflag:$0x1], $0x800, $0x38;
	[tilespmem:$0x5870] =	vst v63  }
0xea: {  	s24 =	sadd.s32 $0x1, s24;
	_ =	swait.ge @!p0 [sflag:s2], $0x800  }
0xeb: {  	p1 =	sne.s32 s24, s13;
	[sflag:s2] =	ssyncset.done @!p0 $0x0  }
.Ltmp3:
0xec: {  	s4 =	simm.s32 @!p0 $0x5000;
	[sflag:s2] =	ssyncadd.s32 @!p0 $0xFFFFF800;
	(pc) =	sbr.rel @p1 .LBB2_1-.Ltmp3, $4  }
0xed: {  	[hbm4b:s12+s0] =	stream.linear.scatter @!p0 [tilespmem:s4], [sflag:$0x1], $0x800, $0x38;
	[tilespmem:$0x5870] =	vst v63  }
0xee: {  	_ =	swait.ge @!p0 [sflag:s2], $0x800  }
0xef: {  	[sflag:s2] =	ssyncset.done @!p0 $0x0  }
0xf0: {  	[sflag:s2] =	ssyncadd.s32 @!p0 $0xFFFFF800  }
0xf1: {  	_ =	sfence.sel $0x180000  }
0xf2: {  	[bflag:$0x0] =	sbarrier.arrive $0xFFFF  }
0xf3: {  	_ =	strace $0x90000047  }
0xf4: {  	s0 =	stileid.u32;
	[bflag:$0x2] =	sbarrier.arrive $0xFFFF  }
0xf5: {  	p0 =	sne.s32 s0, $0x0;
	s0 =	rddreg [dreg:$0x3]  }
0xf6: {  	s0 =	sadd.s32 @!p0 $0x100000, s0  }
0xf7: {  	[sflag:s0] =	ssyncadd.tile.s32 @!p0 $0x1;
	_ =	shalt  }
.Lfunc_end2:
_tile_overlayer_lowered:
.L_overlay_start_2:
0xf8: {  	(tag) =	ssettag $0x2  }
0xf9: {  	s0 =	rddreg [dreg:$0x0];
	s2 =	stileid.u32  }
0xfa: {  	s1 =	rddreg [dreg:$0x1];
	p0 =	sne.s32 s2, $0x0  }
0xfb: {  	s3 =	rddreg [dreg:$0x2];
	[bflag:$0x3] =	sbarrier.arrive $0xFFFF;
	s2 =	simm.s32 @!p0 $0x1C01  }
0xfc: {  	[timem:s3], [sflag:s2] =	dma.local @!p0 [hbm:s0], s1  }
0xfd: {  	s0 =	simm.s32 @!p0 $0x1  }
0xfe: {  	_ =	swait.ge @!p0 [sflag:s0], s1  }
0xff: {  	s1 =	ssub.s32 @!p0 $0x0, s1;
	[sflag:s0] =	ssyncset.done @!p0 $0x0  }
0x100: {  	[sflag:s0] =	ssyncadd.s32 @!p0 s1  }
0x101: {  	[bflag:$0x3] =	sbarrier.arrive $0xFFFF  }
0x102: {  	_ =	shalt  }

</sc_bundles>
